<compile_context>
chip_gen: v7x
topology: tpu7x:2x2x1
jax: 0.10.2.dev20260603
libtpu: 0.0.44.dev20260713+nightly
codegen_flags: <defaults>
</compile_context>

<pallas_src>
import jax
import jax.numpy as jnp
from jax import lax
from jax.experimental import pallas as pl
from jax.experimental.pallas import tpu as pltpu
from jax.experimental.pallas import tpu_sc as plsc

D = 128
LANES = 16
VPR = D // LANES
NCORES = 2
NSUB = 16
NW = NCORES * NSUB
CHUNK = 128
MAGIC = 8388608.0
INV7 = 1.0 / 7.0
TINY = 1e-30


def _compute_chunk(in_v, out_v):

    @plsc.parallel_loop(0, CHUNK, unroll=2)
    def _(r):
        vs = [in_v[r, pl.ds(j * LANES, LANES)] for j in range(VPR)]
        mn = jnp.minimum(jnp.minimum(jnp.minimum(vs[0], vs[1]),
                                     jnp.minimum(vs[2], vs[3])),
                         jnp.minimum(jnp.minimum(vs[4], vs[5]),
                                     jnp.minimum(vs[6], vs[7])))
        mx = jnp.maximum(jnp.maximum(jnp.maximum(vs[0], vs[1]),
                                     jnp.maximum(vs[2], vs[3])),
                         jnp.maximum(jnp.maximum(vs[4], vs[5]),
                                     jnp.maximum(vs[6], vs[7])))
        mn = jnp.full((LANES,), jnp.min(mn), jnp.float32)
        mx = jnp.full((LANES,), jnp.max(mx), jnp.float32)
        safe = jnp.maximum(mx - mn, TINY)
        inv = 7.0 / safe
        scale = safe * INV7
        for j in range(VPR):
            c = (vs[j] - mn) * inv
            rnd = (c + MAGIC) - MAGIC
            sl = pl.ds(j * LANES, LANES)
            out_v[r, sl] = rnd * scale
            plsc.addupdate(out_v.at[r, sl], mn)


def _sc_body(x_hbm, o_hbm, in0, in1, out0, out1,
             si0, si1, so0, so1):
    rows_per_w = x_hbm.shape[0] // NW
    wid = lax.axis_index("s") * NCORES + lax.axis_index("c")
    base = wid * rows_per_w
    nchunks = rows_per_w // CHUNK
    npairs = nchunks // 2

    def start_in(g, buf, sem):
        pltpu.async_copy(x_hbm.at[pl.ds(base + g * CHUNK, CHUNK)], buf, sem)

    def wait_in(buf, sem):
        pltpu.make_async_copy(x_hbm.at[pl.ds(base, CHUNK)], buf, sem).wait()

    def start_out(g, buf, sem):
        pltpu.async_copy(buf, o_hbm.at[pl.ds(base + g * CHUNK, CHUNK)], sem)

    def wait_out(buf, sem):
        pltpu.make_async_copy(buf, o_hbm.at[pl.ds(base, CHUNK)], sem).wait()

    start_in(0, in0, si0)
    start_in(1, in1, si1)

    def pair(p, carry):
        g = 2 * p

        def phase(g, in_b, out_b, si, so):
            wait_in(in_b, si)

            @pl.when(g >= 2)
            def _():
                wait_out(out_b, so)

            _compute_chunk(in_b, out_b)
            start_out(g, out_b, so)

            @pl.when(g + 2 < nchunks)
            def _():
                start_in(g + 2, in_b, si)

        phase(g, in0, out0, si0, so0)
        phase(g + 1, in1, out1, si1, so1)
        return carry

    lax.fori_loop(0, npairs, pair, 0)
    wait_out(out0, so0)
    wait_out(out1, so1)


def _quantize_recon(x):
    n = x.shape[0]
    mesh = plsc.VectorSubcoreMesh(
        core_axis_name="c", subcore_axis_name="s",
        num_cores=NCORES, num_subcores=NSUB)
    return pl.kernel(
        _sc_body,
        out_type=jax.ShapeDtypeStruct((n, D), jnp.float32),
        mesh=mesh,
        scratch_types=[
            pltpu.VMEM((CHUNK, D), jnp.float32),
            pltpu.VMEM((CHUNK, D), jnp.float32),
            pltpu.VMEM((CHUNK, D), jnp.float32),
            pltpu.VMEM((CHUNK, D), jnp.float32),
            pltpu.SemaphoreType.DMA,
            pltpu.SemaphoreType.DMA,
            pltpu.SemaphoreType.DMA,
            pltpu.SemaphoreType.DMA,
        ],
        compiler_params=pltpu.CompilerParams(needs_layout_passes=False),
    )(x)


def kernel(kv_states):
    batch, num_heads, seq_len, head_dim = kv_states.shape
    x = kv_states.astype(jnp.float32).reshape(-1, head_dim)
    recon = _quantize_recon(x)
    return recon.reshape(batch, num_heads, seq_len, head_dim)

# --- scband reference (transcript-rebuilt; emitter-appended) ---
"""Pipeline reference for scband-uniform-quantizer-46162308497803 (READ-ONLY COPY).

The authoritative reference and input builder live on the scoring server;
editing this copy changes nothing except your own understanding.
"""

import jax, jax.numpy as jnp
import numpy as np

BITS = 3
D = 128


def setup_inputs(seed: int = 0) -> dict:
    key = jax.random.key(seed)
    kv_states = jax.random.normal(key, (2, 16, 4096, 128), dtype=jnp.float32)
    return {"kv_states": kv_states}


def _quantize(flat):
    # Uniform per-row (per-vector) scalar quantization at BITS bits.
    # quantize: codes = round((x - min) / scale); dequantize: min + codes * scale
    n_levels = (1 << BITS) - 1  # 2^bits - 1 max code value
    mn = jnp.min(flat, axis=-1, keepdims=True)
    mx = jnp.max(flat, axis=-1, keepdims=True)
    scale = (mx - mn) / float(n_levels)
    safe_scale = jnp.where(scale == 0.0, 1.0, scale)
    codes = jnp.clip(jnp.round((flat - mn) / safe_scale), 0.0, float(n_levels))
    return codes, mn, safe_scale


def _dequantize(codes, mn, scale):
    return mn + codes * scale


def reference(kv_states):
    batch, num_heads, seq_len, head_dim = kv_states.shape
    flat = kv_states.astype(jnp.float32).reshape(-1, head_dim)
    codes, mn, scale = _quantize(flat)
    recon = _dequantize(codes, mn, scale)
    return recon.reshape(batch, num_heads, seq_len, head_dim)

if __name__ == "__main__":
    import jax
    _d = setup_inputs()
    print(jax.jit(kernel)(*tuple(_d.values())))

</pallas_src>

<mosaic_0001>
#map = affine_map<(d0, d1) -> (0, 0)>
module attributes {stable_mosaic.version = 14 : i64} {
  func.func @_sc_body(%arg0: i32, %arg1: i32, %arg2: memref<131072x128xf32, #tpu.memory_space<hbm>>, %arg3: memref<131072x128xf32, #tpu.memory_space<hbm>>, %arg4: memref<128x128xf32, #tpu.memory_space<vmem>>, %arg5: memref<128x128xf32, #tpu.memory_space<vmem>>, %arg6: memref<128x128xf32, #tpu.memory_space<vmem>>, %arg7: memref<128x128xf32, #tpu.memory_space<vmem>>, %arg8: memref<!tpu.dma_semaphore, #tpu.memory_space<semaphore_mem>>, %arg9: memref<!tpu.dma_semaphore, #tpu.memory_space<semaphore_mem>>, %arg10: memref<!tpu.dma_semaphore, #tpu.memory_space<semaphore_mem>>, %arg11: memref<!tpu.dma_semaphore, #tpu.memory_space<semaphore_mem>>) attributes {dimension_semantics = [#tpu.dimension_semantics<core_parallel>, #tpu.dimension_semantics<subcore_parallel>], iteration_bounds = array<i64: 2, 16>, scalar_prefetch = 0 : i64, scratch_operands = 8 : i64, tpu.core_type = #tpu.core_type<sc_vector_subcore>, window_params = [{transform_indices = #map}, {transform_indices = #map}]} {
    %mul3A = arith.constant 2 : i32
    %mul3A_0 = arith.muli %arg1, %mul3A : i32
    %add3A = arith.addi %mul3A_0, %arg0 : i32
    %mul3A_1 = arith.constant 4096 : i32
    %mul3A_2 = arith.muli %add3A, %mul3A_1 : i32
    %add3A_3 = arith.constant 0 : i32
    %add3A_4 = arith.addi %mul3A_2, %add3A_3 : i32
    %dma_start3A = arith.constant 0 : i32
    %dma_start3A_5 = tpu.memref_slice %arg2[%add3A_4, %dma_start3A] : memref<131072x128xf32, #tpu.memory_space<hbm>> -> memref<128x128xf32, #tpu.memory_space<hbm>>
    %dma_start3A_6 = arith.constant 0 : i32
    %dma_start3A_7 = tpu.memref_slice %arg2[%add3A_4, %dma_start3A_6] : memref<131072x128xf32, #tpu.memory_space<hbm>> -> memref<128x128xf32, #tpu.memory_space<hbm>>
    tpu.enqueue_dma source(%dma_start3A_7 : memref<128x128xf32, #tpu.memory_space<hbm>>) target(%arg4 : memref<128x128xf32, #tpu.memory_space<vmem>>) target_semaphore(%arg8 : memref<!tpu.dma_semaphore, #tpu.memory_space<semaphore_mem>>)
    %add3A_8 = arith.constant 128 : i32
    %add3A_9 = arith.addi %mul3A_2, %add3A_8 : i32
    %dma_start3A_10 = arith.constant 0 : i32
    %dma_start3A_11 = tpu.memref_slice %arg2[%add3A_9, %dma_start3A_10] : memref<131072x128xf32, #tpu.memory_space<hbm>> -> memref<128x128xf32, #tpu.memory_space<hbm>>
    %dma_start3A_12 = arith.constant 0 : i32
    %dma_start3A_13 = tpu.memref_slice %arg2[%add3A_9, %dma_start3A_12] : memref<131072x128xf32, #tpu.memory_space<hbm>> -> memref<128x128xf32, #tpu.memory_space<hbm>>
    tpu.enqueue_dma source(%dma_start3A_13 : memref<128x128xf32, #tpu.memory_space<hbm>>) target(%arg5 : memref<128x128xf32, #tpu.memory_space<vmem>>) target_semaphore(%arg9 : memref<!tpu.dma_semaphore, #tpu.memory_space<semaphore_mem>>)
    %scan3A = arith.constant 0 : i32
    %scan3A_14 = arith.constant 0 : i32
    %scan3A_15 = arith.constant 16 : i32
    %scan3A_16 = arith.addi %scan3A_14, %scan3A_15 : i32
    %scan3A_17 = arith.constant 1 : i32
    scf.for %scan3A_26 = %scan3A_14 to %scan3A_16 step %scan3A_17  : i32 {
      %mul3A_27 = arith.constant 2 : i32
      %mul3A_28 = arith.muli %mul3A_27, %scan3A_26 : i32
      %dma_wait3A_29 = arith.constant 0 : i32
      %dma_wait3A_30 = tpu.memref_slice %arg2[%mul3A_2, %dma_wait3A_29] : memref<131072x128xf32, #tpu.memory_space<hbm>> -> memref<128x128xf32, #tpu.memory_space<hbm>>
      %dma_wait3A_31 = arith.constant 0 : i32
      %dma_wait3A_32 = tpu.memref_slice %arg2[%mul3A_2, %dma_wait3A_31] : memref<131072x128xf32, #tpu.memory_space<hbm>> -> memref<128x128xf32, #tpu.memory_space<hbm>>
      tpu.wait_dma2 semaphore(%arg8 : memref<!tpu.dma_semaphore, #tpu.memory_space<semaphore_mem>>) src(%dma_wait3A_32 : memref<128x128xf32, #tpu.memory_space<hbm>>) dst(%arg4 : memref<128x128xf32, #tpu.memory_space<vmem>>)
      %ge3A = arith.constant 2 : i32
      %ge3A_33 = arith.cmpi sge, %mul3A_28, %ge3A : i32
      %convert_element_type3A = arith.extui %ge3A_33 : i1 to i32
      %cond3A = arith.constant 0 : i32
      %cond3A_34 = arith.cmpi ne, %convert_element_type3A, %cond3A : i32
      scf.if %cond3A_34 {
        %dma_wait3A_78 = arith.constant 0 : i32
        %dma_wait3A_79 = tpu.memref_slice %arg3[%mul3A_2, %dma_wait3A_78] : memref<131072x128xf32, #tpu.memory_space<hbm>> -> memref<128x128xf32, #tpu.memory_space<hbm>>
        %dma_wait3A_80 = arith.constant 0 : i32
        %dma_wait3A_81 = tpu.memref_slice %arg3[%mul3A_2, %dma_wait3A_80] : memref<131072x128xf32, #tpu.memory_space<hbm>> -> memref<128x128xf32, #tpu.memory_space<hbm>>
        tpu.wait_dma2 semaphore(%arg10 : memref<!tpu.dma_semaphore, #tpu.memory_space<semaphore_mem>>) src(%arg6 : memref<128x128xf32, #tpu.memory_space<vmem>>) dst(%dma_wait3A_81 : memref<128x128xf32, #tpu.memory_space<hbm>>)
      } else {
      }
      %parallel_loop3A = arith.constant 0 : i32
      %parallel_loop3A_35 = arith.constant 128 : i32
      %parallel_loop3A_36 = arith.constant 1 : i32
      scf.for %parallel_loop3A_78 = %parallel_loop3A to %parallel_loop3A_35 step %parallel_loop3A_36  : i32 {
        %parallel_loop3A_79 = arith.index_cast %parallel_loop3A_78 : i32 to index
        %parallel_loop3A_80 = arith.constant 0 : index
        %parallel_loop3A_81 = tpu.vector_load %arg4[%parallel_loop3A_79, %parallel_loop3A_80] {strides = array<i32>} : memref<128x128xf32, #tpu.memory_space<vmem>>, vector<16xf32>,
        %parallel_loop3A_82 = arith.index_cast %parallel_loop3A_78 : i32 to index
        %parallel_loop3A_83 = arith.constant 16 : index
        %parallel_loop3A_84 = tpu.vector_load %arg4[%parallel_loop3A_82, %parallel_loop3A_83] {strides = array<i32>} : memref<128x128xf32, #tpu.memory_space<vmem>>, vector<16xf32>,
        %parallel_loop3A_85 = arith.index_cast %parallel_loop3A_78 : i32 to index
        %parallel_loop3A_86 = arith.constant 32 : index
        %parallel_loop3A_87 = tpu.vector_load %arg4[%parallel_loop3A_85, %parallel_loop3A_86] {strides = array<i32>} : memref<128x128xf32, #tpu.memory_space<vmem>>, vector<16xf32>,
        %parallel_loop3A_88 = arith.index_cast %parallel_loop3A_78 : i32 to index
        %parallel_loop3A_89 = arith.constant 48 : index
        %parallel_loop3A_90 = tpu.vector_load %arg4[%parallel_loop3A_88, %parallel_loop3A_89] {strides = array<i32>} : memref<128x128xf32, #tpu.memory_space<vmem>>, vector<16xf32>,
        %parallel_loop3A_91 = arith.index_cast %parallel_loop3A_78 : i32 to index
        %parallel_loop3A_92 = arith.constant 64 : index
        %parallel_loop3A_93 = tpu.vector_load %arg4[%parallel_loop3A_91, %parallel_loop3A_92] {strides = array<i32>} : memref<128x128xf32, #tpu.memory_space<vmem>>, vector<16xf32>,
        %parallel_loop3A_94 = arith.index_cast %parallel_loop3A_78 : i32 to index
        %parallel_loop3A_95 = arith.constant 80 : index
        %parallel_loop3A_96 = tpu.vector_load %arg4[%parallel_loop3A_94, %parallel_loop3A_95] {strides = array<i32>} : memref<128x128xf32, #tpu.memory_space<vmem>>, vector<16xf32>,
        %parallel_loop3A_97 = arith.index_cast %parallel_loop3A_78 : i32 to index
        %parallel_loop3A_98 = arith.constant 96 : index
        %parallel_loop3A_99 = tpu.vector_load %arg4[%parallel_loop3A_97, %parallel_loop3A_98] {strides = array<i32>} : memref<128x128xf32, #tpu.memory_space<vmem>>, vector<16xf32>,
        %parallel_loop3A_100 = arith.index_cast %parallel_loop3A_78 : i32 to index
        %parallel_loop3A_101 = arith.constant 112 : index
        %parallel_loop3A_102 = tpu.vector_load %arg4[%parallel_loop3A_100, %parallel_loop3A_101] {strides = array<i32>} : memref<128x128xf32, #tpu.memory_space<vmem>>, vector<16xf32>,
        %parallel_loop3A_103 = arith.minimumf %parallel_loop3A_81, %parallel_loop3A_84 : vector<16xf32>
        %parallel_loop3A_104 = arith.minimumf %parallel_loop3A_87, %parallel_loop3A_90 : vector<16xf32>
        %parallel_loop3A_105 = arith.minimumf %parallel_loop3A_103, %parallel_loop3A_104 : vector<16xf32>
        %parallel_loop3A_106 = arith.minimumf %parallel_loop3A_93, %parallel_loop3A_96 : vector<16xf32>
        %parallel_loop3A_107 = arith.minimumf %parallel_loop3A_99, %parallel_loop3A_102 : vector<16xf32>
        %parallel_loop3A_108 = arith.minimumf %parallel_loop3A_106, %parallel_loop3A_107 : vector<16xf32>
        %parallel_loop3A_109 = arith.minimumf %parallel_loop3A_105, %parallel_loop3A_108 : vector<16xf32>
        %parallel_loop3A_110 = arith.maximumf %parallel_loop3A_81, %parallel_loop3A_84 : vector<16xf32>
        %parallel_loop3A_111 = arith.maximumf %parallel_loop3A_87, %parallel_loop3A_90 : vector<16xf32>
        %parallel_loop3A_112 = arith.maximumf %parallel_loop3A_110, %parallel_loop3A_111 : vector<16xf32>
        %parallel_loop3A_113 = arith.maximumf %parallel_loop3A_93, %parallel_loop3A_96 : vector<16xf32>
        %parallel_loop3A_114 = arith.maximumf %parallel_loop3A_99, %parallel_loop3A_102 : vector<16xf32>
        %parallel_loop3A_115 = arith.maximumf %parallel_loop3A_113, %parallel_loop3A_114 : vector<16xf32>
        %parallel_loop3A_116 = arith.maximumf %parallel_loop3A_112, %parallel_loop3A_115 : vector<16xf32>
        %parallel_loop3A_117 = arith.constant true
        %parallel_loop3A_118 = vector.broadcast %parallel_loop3A_117 : i1 to vector<16xi1>
        %parallel_loop3A_119 = tpu.scan <min>, %parallel_loop3A_109 masked %parallel_loop3A_118 : vector<16xf32>, vector<16xi1> -> vector<16xf32>
        %parallel_loop3A_120 = vector.extract %parallel_loop3A_119[15] : f32 from vector<16xf32>
        %parallel_loop3A_121 = vector.broadcast %parallel_loop3A_120 : f32 to vector<16xf32>
        %parallel_loop3A_122 = arith.constant true
        %parallel_loop3A_123 = vector.broadcast %parallel_loop3A_122 : i1 to vector<16xi1>
        %parallel_loop3A_124 = tpu.scan <max>, %parallel_loop3A_116 masked %parallel_loop3A_123 : vector<16xf32>, vector<16xi1> -> vector<16xf32>
        %parallel_loop3A_125 = vector.extract %parallel_loop3A_124[15] : f32 from vector<16xf32>
        %parallel_loop3A_126 = vector.broadcast %parallel_loop3A_125 : f32 to vector<16xf32>
        %parallel_loop3A_127 = arith.subf %parallel_loop3A_126, %parallel_loop3A_121 : vector<16xf32>
        %parallel_loop3A_128 = arith.constant 1.000000e-30 : f32
        %parallel_loop3A_129 = vector.broadcast %parallel_loop3A_128 : f32 to vector<16xf32>
        %parallel_loop3A_130 = arith.maximumf %parallel_loop3A_127, %parallel_loop3A_129 : vector<16xf32>
        %parallel_loop3A_131 = arith.constant 7.000000e+00 : f32
        %parallel_loop3A_132 = vector.broadcast %parallel_loop3A_131 : f32 to vector<16xf32>
        %parallel_loop3A_133 = arith.divf %parallel_loop3A_132, %parallel_loop3A_130 : vector<16xf32>
        %parallel_loop3A_134 = arith.constant 0.142857149 : f32
        %parallel_loop3A_135 = vector.broadcast %parallel_loop3A_134 : f32 to vector<16xf32>
        %parallel_loop3A_136 = arith.mulf %parallel_loop3A_130, %parallel_loop3A_135 : vector<16xf32>
        %parallel_loop3A_137 = arith.subf %parallel_loop3A_81, %parallel_loop3A_121 : vector<16xf32>
        %parallel_loop3A_138 = arith.mulf %parallel_loop3A_137, %parallel_loop3A_133 : vector<16xf32>
        %parallel_loop3A_139 = arith.constant 0x4B000000 : f32
        %parallel_loop3A_140 = vector.broadcast %parallel_loop3A_139 : f32 to vector<16xf32>
        %parallel_loop3A_141 = arith.addf %parallel_loop3A_138, %parallel_loop3A_140 : vector<16xf32>
        %parallel_loop3A_142 = arith.constant 0x4B000000 : f32
        %parallel_loop3A_143 = vector.broadcast %parallel_loop3A_142 : f32 to vector<16xf32>
        %parallel_loop3A_144 = arith.subf %parallel_loop3A_141, %parallel_loop3A_143 : vector<16xf32>
        %parallel_loop3A_145 = arith.mulf %parallel_loop3A_144, %parallel_loop3A_136 : vector<16xf32>
        %parallel_loop3A_146 = arith.index_cast %parallel_loop3A_78 : i32 to index
        %parallel_loop3A_147 = arith.constant 0 : index
        %parallel_loop3A_148 = tpu.vector_load %arg6[%parallel_loop3A_146, %parallel_loop3A_147] {strides = array<i32>} : memref<128x128xf32, #tpu.memory_space<vmem>>, vector<16xf32>,
        tpu.vector_store %arg6[%parallel_loop3A_146, %parallel_loop3A_147], %parallel_loop3A_145 {strides = array<i32>} : memref<128x128xf32, #tpu.memory_space<vmem>>, vector<16xf32>,
        %parallel_loop3A_149 = arith.index_cast %parallel_loop3A_78 : i32 to index
        %parallel_loop3A_150 = arith.constant 0 : index
        %parallel_loop3A_151 = tpu.vector_load %arg6[%parallel_loop3A_149, %parallel_loop3A_150] {strides = array<i32>} : memref<128x128xf32, #tpu.memory_space<vmem>>, vector<16xf32>,
        tpu.vector_store %arg6[%parallel_loop3A_149, %parallel_loop3A_150], %parallel_loop3A_121 {add = true, strides = array<i32>} : memref<128x128xf32, #tpu.memory_space<vmem>>, vector<16xf32>,
        %parallel_loop3A_152 = arith.subf %parallel_loop3A_84, %parallel_loop3A_121 : vector<16xf32>
        %parallel_loop3A_153 = arith.mulf %parallel_loop3A_152, %parallel_loop3A_133 : vector<16xf32>
        %parallel_loop3A_154 = arith.constant 0x4B000000 : f32
        %parallel_loop3A_155 = vector.broadcast %parallel_loop3A_154 : f32 to vector<16xf32>
        %parallel_loop3A_156 = arith.addf %parallel_loop3A_153, %parallel_loop3A_155 : vector<16xf32>
        %parallel_loop3A_157 = arith.constant 0x4B000000 : f32
        %parallel_loop3A_158 = vector.broadcast %parallel_loop3A_157 : f32 to vector<16xf32>
        %parallel_loop3A_159 = arith.subf %parallel_loop3A_156, %parallel_loop3A_158 : vector<16xf32>
        %parallel_loop3A_160 = arith.mulf %parallel_loop3A_159, %parallel_loop3A_136 : vector<16xf32>
        %parallel_loop3A_161 = arith.index_cast %parallel_loop3A_78 : i32 to index
        %parallel_loop3A_162 = arith.constant 16 : index
        %parallel_loop3A_163 = tpu.vector_load %arg6[%parallel_loop3A_161, %parallel_loop3A_162] {strides = array<i32>} : memref<128x128xf32, #tpu.memory_space<vmem>>, vector<16xf32>,
        tpu.vector_store %arg6[%parallel_loop3A_161, %parallel_loop3A_162], %parallel_loop3A_160 {strides = array<i32>} : memref<128x128xf32, #tpu.memory_space<vmem>>, vector<16xf32>,
        %parallel_loop3A_164 = arith.index_cast %parallel_loop3A_78 : i32 to index
        %parallel_loop3A_165 = arith.constant 16 : index
        %parallel_loop3A_166 = tpu.vector_load %arg6[%parallel_loop3A_164, %parallel_loop3A_165] {strides = array<i32>} : memref<128x128xf32, #tpu.memory_space<vmem>>, vector<16xf32>,
        tpu.vector_store %arg6[%parallel_loop3A_164, %parallel_loop3A_165], %parallel_loop3A_121 {add = true, strides = array<i32>} : memref<128x128xf32, #tpu.memory_space<vmem>>, vector<16xf32>,
        %parallel_loop3A_167 = arith.subf %parallel_loop3A_87, %parallel_loop3A_121 : vector<16xf32>
        %parallel_loop3A_168 = arith.mulf %parallel_loop3A_167, %parallel_loop3A_133 : vector<16xf32>
        %parallel_loop3A_169 = arith.constant 0x4B000000 : f32
        %parallel_loop3A_170 = vector.broadcast %parallel_loop3A_169 : f32 to vector<16xf32>
        %parallel_loop3A_171 = arith.addf %parallel_loop3A_168, %parallel_loop3A_170 : vector<16xf32>
        %parallel_loop3A_172 = arith.constant 0x4B000000 : f32
        %parallel_loop3A_173 = vector.broadcast %parallel_loop3A_172 : f32 to vector<16xf32>
        %parallel_loop3A_174 = arith.subf %parallel_loop3A_171, %parallel_loop3A_173 : vector<16xf32>
        %parallel_loop3A_175 = arith.mulf %parallel_loop3A_174, %parallel_loop3A_136 : vector<16xf32>
        %parallel_loop3A_176 = arith.index_cast %parallel_loop3A_78 : i32 to index
        %parallel_loop3A_177 = arith.constant 32 : index
        %parallel_loop3A_178 = tpu.vector_load %arg6[%parallel_loop3A_176, %parallel_loop3A_177] {strides = array<i32>} : memref<128x128xf32, #tpu.memory_space<vmem>>, vector<16xf32>,
        tpu.vector_store %arg6[%parallel_loop3A_176, %parallel_loop3A_177], %parallel_loop3A_175 {strides = array<i32>} : memref<128x128xf32, #tpu.memory_space<vmem>>, vector<16xf32>,
        %parallel_loop3A_179 = arith.index_cast %parallel_loop3A_78 : i32 to index
        %parallel_loop3A_180 = arith.constant 32 : index
        %parallel_loop3A_181 = tpu.vector_load %arg6[%parallel_loop3A_179, %parallel_loop3A_180] {strides = array<i32>} : memref<128x128xf32, #tpu.memory_space<vmem>>, vector<16xf32>,
        tpu.vector_store %arg6[%parallel_loop3A_179, %parallel_loop3A_180], %parallel_loop3A_121 {add = true, strides = array<i32>} : memref<128x128xf32, #tpu.memory_space<vmem>>, vector<16xf32>,
        %parallel_loop3A_182 = arith.subf %parallel_loop3A_90, %parallel_loop3A_121 : vector<16xf32>
        %parallel_loop3A_183 = arith.mulf %parallel_loop3A_182, %parallel_loop3A_133 : vector<16xf32>
        %parallel_loop3A_184 = arith.constant 0x4B000000 : f32
        %parallel_loop3A_185 = vector.broadcast %parallel_loop3A_184 : f32 to vector<16xf32>
        %parallel_loop3A_186 = arith.addf %parallel_loop3A_183, %parallel_loop3A_185 : vector<16xf32>
        %parallel_loop3A_187 = arith.constant 0x4B000000 : f32
        %parallel_loop3A_188 = vector.broadcast %parallel_loop3A_187 : f32 to vector<16xf32>
        %parallel_loop3A_189 = arith.subf %parallel_loop3A_186, %parallel_loop3A_188 : vector<16xf32>
        %parallel_loop3A_190 = arith.mulf %parallel_loop3A_189, %parallel_loop3A_136 : vector<16xf32>
        %parallel_loop3A_191 = arith.index_cast %parallel_loop3A_78 : i32 to index
        %parallel_loop3A_192 = arith.constant 48 : index
        %parallel_loop3A_193 = tpu.vector_load %arg6[%parallel_loop3A_191, %parallel_loop3A_192] {strides = array<i32>} : memref<128x128xf32, #tpu.memory_space<vmem>>, vector<16xf32>,
        tpu.vector_store %arg6[%parallel_loop3A_191, %parallel_loop3A_192], %parallel_loop3A_190 {strides = array<i32>} : memref<128x128xf32, #tpu.memory_space<vmem>>, vector<16xf32>,
        %parallel_loop3A_194 = arith.index_cast %parallel_loop3A_78 : i32 to index
        %parallel_loop3A_195 = arith.constant 48 : index
        %parallel_loop3A_196 = tpu.vector_load %arg6[%parallel_loop3A_194, %parallel_loop3A_195] {strides = array<i32>} : memref<128x128xf32, #tpu.memory_space<vmem>>, vector<16xf32>,
        tpu.vector_store %arg6[%parallel_loop3A_194, %parallel_loop3A_195], %parallel_loop3A_121 {add = true, strides = array<i32>} : memref<128x128xf32, #tpu.memory_space<vmem>>, vector<16xf32>,
        %parallel_loop3A_197 = arith.subf %parallel_loop3A_93, %parallel_loop3A_121 : vector<16xf32>
        %parallel_loop3A_198 = arith.mulf %parallel_loop3A_197, %parallel_loop3A_133 : vector<16xf32>
        %parallel_loop3A_199 = arith.constant 0x4B000000 : f32
        %parallel_loop3A_200 = vector.broadcast %parallel_loop3A_199 : f32 to vector<16xf32>
        %parallel_loop3A_201 = arith.addf %parallel_loop3A_198, %parallel_loop3A_200 : vector<16xf32>
        %parallel_loop3A_202 = arith.constant 0x4B000000 : f32
        %parallel_loop3A_203 = vector.broadcast %parallel_loop3A_202 : f32 to vector<16xf32>
        %parallel_loop3A_204 = arith.subf %parallel_loop3A_201, %parallel_loop3A_203 : vector<16xf32>
        %parallel_loop3A_205 = arith.mulf %parallel_loop3A_204, %parallel_loop3A_136 : vector<16xf32>
        %parallel_loop3A_206 = arith.index_cast %parallel_loop3A_78 : i32 to index
        %parallel_loop3A_207 = arith.constant 64 : index
        %parallel_loop3A_208 = tpu.vector_load %arg6[%parallel_loop3A_206, %parallel_loop3A_207] {strides = array<i32>} : memref<128x128xf32, #tpu.memory_space<vmem>>, vector<16xf32>,
        tpu.vector_store %arg6[%parallel_loop3A_206, %parallel_loop3A_207], %parallel_loop3A_205 {strides = array<i32>} : memref<128x128xf32, #tpu.memory_space<vmem>>, vector<16xf32>,
        %parallel_loop3A_209 = arith.index_cast %parallel_loop3A_78 : i32 to index
        %parallel_loop3A_210 = arith.constant 64 : index
        %parallel_loop3A_211 = tpu.vector_load %arg6[%parallel_loop3A_209, %parallel_loop3A_210] {strides = array<i32>} : memref<128x128xf32, #tpu.memory_space<vmem>>, vector<16xf32>,
        tpu.vector_store %arg6[%parallel_loop3A_209, %parallel_loop3A_210], %parallel_loop3A_121 {add = true, strides = array<i32>} : memref<128x128xf32, #tpu.memory_space<vmem>>, vector<16xf32>,
        %parallel_loop3A_212 = arith.subf %parallel_loop3A_96, %parallel_loop3A_121 : vector<16xf32>
        %parallel_loop3A_213 = arith.mulf %parallel_loop3A_212, %parallel_loop3A_133 : vector<16xf32>
        %parallel_loop3A_214 = arith.constant 0x4B000000 : f32
        %parallel_loop3A_215 = vector.broadcast %parallel_loop3A_214 : f32 to vector<16xf32>
        %parallel_loop3A_216 = arith.addf %parallel_loop3A_213, %parallel_loop3A_215 : vector<16xf32>
        %parallel_loop3A_217 = arith.constant 0x4B000000 : f32
        %parallel_loop3A_218 = vector.broadcast %parallel_loop3A_217 : f32 to vector<16xf32>
        %parallel_loop3A_219 = arith.subf %parallel_loop3A_216, %parallel_loop3A_218 : vector<16xf32>
        %parallel_loop3A_220 = arith.mulf %parallel_loop3A_219, %parallel_loop3A_136 : vector<16xf32>
        %parallel_loop3A_221 = arith.index_cast %parallel_loop3A_78 : i32 to index
        %parallel_loop3A_222 = arith.constant 80 : index
        %parallel_loop3A_223 = tpu.vector_load %arg6[%parallel_loop3A_221, %parallel_loop3A_222] {strides = array<i32>} : memref<128x128xf32, #tpu.memory_space<vmem>>, vector<16xf32>,
        tpu.vector_store %arg6[%parallel_loop3A_221, %parallel_loop3A_222], %parallel_loop3A_220 {strides = array<i32>} : memref<128x128xf32, #tpu.memory_space<vmem>>, vector<16xf32>,
        %parallel_loop3A_224 = arith.index_cast %parallel_loop3A_78 : i32 to index
        %parallel_loop3A_225 = arith.constant 80 : index
        %parallel_loop3A_226 = tpu.vector_load %arg6[%parallel_loop3A_224, %parallel_loop3A_225] {strides = array<i32>} : memref<128x128xf32, #tpu.memory_space<vmem>>, vector<16xf32>,
        tpu.vector_store %arg6[%parallel_loop3A_224, %parallel_loop3A_225], %parallel_loop3A_121 {add = true, strides = array<i32>} : memref<128x128xf32, #tpu.memory_space<vmem>>, vector<16xf32>,
        %parallel_loop3A_227 = arith.subf %parallel_loop3A_99, %parallel_loop3A_121 : vector<16xf32>
        %parallel_loop3A_228 = arith.mulf %parallel_loop3A_227, %parallel_loop3A_133 : vector<16xf32>
        %parallel_loop3A_229 = arith.constant 0x4B000000 : f32
        %parallel_loop3A_230 = vector.broadcast %parallel_loop3A_229 : f32 to vector<16xf32>
        %parallel_loop3A_231 = arith.addf %parallel_loop3A_228, %parallel_loop3A_230 : vector<16xf32>
        %parallel_loop3A_232 = arith.constant 0x4B000000 : f32
        %parallel_loop3A_233 = vector.broadcast %parallel_loop3A_232 : f32 to vector<16xf32>
        %parallel_loop3A_234 = arith.subf %parallel_loop3A_231, %parallel_loop3A_233 : vector<16xf32>
        %parallel_loop3A_235 = arith.mulf %parallel_loop3A_234, %parallel_loop3A_136 : vector<16xf32>
        %parallel_loop3A_236 = arith.index_cast %parallel_loop3A_78 : i32 to index
        %parallel_loop3A_237 = arith.constant 96 : index
        %parallel_loop3A_238 = tpu.vector_load %arg6[%parallel_loop3A_236, %parallel_loop3A_237] {strides = array<i32>} : memref<128x128xf32, #tpu.memory_space<vmem>>, vector<16xf32>,
        tpu.vector_store %arg6[%parallel_loop3A_236, %parallel_loop3A_237], %parallel_loop3A_235 {strides = array<i32>} : memref<128x128xf32, #tpu.memory_space<vmem>>, vector<16xf32>,
        %parallel_loop3A_239 = arith.index_cast %parallel_loop3A_78 : i32 to index
        %parallel_loop3A_240 = arith.constant 96 : index
        %parallel_loop3A_241 = tpu.vector_load %arg6[%parallel_loop3A_239, %parallel_loop3A_240] {strides = array<i32>} : memref<128x128xf32, #tpu.memory_space<vmem>>, vector<16xf32>,
        tpu.vector_store %arg6[%parallel_loop3A_239, %parallel_loop3A_240], %parallel_loop3A_121 {add = true, strides = array<i32>} : memref<128x128xf32, #tpu.memory_space<vmem>>, vector<16xf32>,
        %parallel_loop3A_242 = arith.subf %parallel_loop3A_102, %parallel_loop3A_121 : vector<16xf32>
        %parallel_loop3A_243 = arith.mulf %parallel_loop3A_242, %parallel_loop3A_133 : vector<16xf32>
        %parallel_loop3A_244 = arith.constant 0x4B000000 : f32
        %parallel_loop3A_245 = vector.broadcast %parallel_loop3A_244 : f32 to vector<16xf32>
        %parallel_loop3A_246 = arith.addf %parallel_loop3A_243, %parallel_loop3A_245 : vector<16xf32>
        %parallel_loop3A_247 = arith.constant 0x4B000000 : f32
        %parallel_loop3A_248 = vector.broadcast %parallel_loop3A_247 : f32 to vector<16xf32>
        %parallel_loop3A_249 = arith.subf %parallel_loop3A_246, %parallel_loop3A_248 : vector<16xf32>
        %parallel_loop3A_250 = arith.mulf %parallel_loop3A_249, %parallel_loop3A_136 : vector<16xf32>
        %parallel_loop3A_251 = arith.index_cast %parallel_loop3A_78 : i32 to index
        %parallel_loop3A_252 = arith.constant 112 : index
        %parallel_loop3A_253 = tpu.vector_load %arg6[%parallel_loop3A_251, %parallel_loop3A_252] {strides = array<i32>} : memref<128x128xf32, #tpu.memory_space<vmem>>, vector<16xf32>,
        tpu.vector_store %arg6[%parallel_loop3A_251, %parallel_loop3A_252], %parallel_loop3A_250 {strides = array<i32>} : memref<128x128xf32, #tpu.memory_space<vmem>>, vector<16xf32>,
        %parallel_loop3A_254 = arith.index_cast %parallel_loop3A_78 : i32 to index
        %parallel_loop3A_255 = arith.constant 112 : index
        %parallel_loop3A_256 = tpu.vector_load %arg6[%parallel_loop3A_254, %parallel_loop3A_255] {strides = array<i32>} : memref<128x128xf32, #tpu.memory_space<vmem>>, vector<16xf32>,
        tpu.vector_store %arg6[%parallel_loop3A_254, %parallel_loop3A_255], %parallel_loop3A_121 {add = true, strides = array<i32>} : memref<128x128xf32, #tpu.memory_space<vmem>>, vector<16xf32>,
      } {sc.loop_unroll_factor = 2 : i64, sc.parallel_access}
      %mul3A_37 = arith.constant 128 : i32
      %mul3A_38 = arith.muli %mul3A_28, %mul3A_37 : i32
      %add3A_39 = arith.addi %mul3A_2, %mul3A_38 : i32
      %dma_start3A_40 = arith.constant 0 : i32
      %dma_start3A_41 = tpu.memref_slice %arg3[%add3A_39, %dma_start3A_40] : memref<131072x128xf32, #tpu.memory_space<hbm>> -> memref<128x128xf32, #tpu.memory_space<hbm>>
      %dma_start3A_42 = arith.constant 0 : i32
      %dma_start3A_43 = tpu.memref_slice %arg3[%add3A_39, %dma_start3A_42] : memref<131072x128xf32, #tpu.memory_space<hbm>> -> memref<128x128xf32, #tpu.memory_space<hbm>>
      tpu.enqueue_dma source(%arg6 : memref<128x128xf32, #tpu.memory_space<vmem>>) target(%dma_start3A_43 : memref<128x128xf32, #tpu.memory_space<hbm>>) target_semaphore(%arg10 : memref<!tpu.dma_semaphore, #tpu.memory_space<semaphore_mem>>)
      %add3A_44 = arith.constant 2 : i32
      %add3A_45 = arith.addi %mul3A_28, %add3A_44 : i32
      %lt3A = arith.constant 32 : i32
      %lt3A_46 = arith.cmpi slt, %add3A_45, %lt3A : i32
      %convert_element_type3A_47 = arith.extui %lt3A_46 : i1 to i32
      %cond3A_48 = arith.constant 0 : i32
      %cond3A_49 = arith.cmpi ne, %convert_element_type3A_47, %cond3A_48 : i32
      scf.if %cond3A_49 {
        %add3A_78 = arith.constant 2 : i32
        %add3A_79 = arith.addi %mul3A_28, %add3A_78 : i32
        %mul3A_80 = arith.constant 128 : i32
        %mul3A_81 = arith.muli %add3A_79, %mul3A_80 : i32
        %add3A_82 = arith.addi %mul3A_2, %mul3A_81 : i32
        %dma_start3A_83 = arith.constant 0 : i32
        %dma_start3A_84 = tpu.memref_slice %arg2[%add3A_82, %dma_start3A_83] : memref<131072x128xf32, #tpu.memory_space<hbm>> -> memref<128x128xf32, #tpu.memory_space<hbm>>
        %dma_start3A_85 = arith.constant 0 : i32
        %dma_start3A_86 = tpu.memref_slice %arg2[%add3A_82, %dma_start3A_85] : memref<131072x128xf32, #tpu.memory_space<hbm>> -> memref<128x128xf32, #tpu.memory_space<hbm>>
        tpu.enqueue_dma source(%dma_start3A_86 : memref<128x128xf32, #tpu.memory_space<hbm>>) target(%arg4 : memref<128x128xf32, #tpu.memory_space<vmem>>) target_semaphore(%arg8 : memref<!tpu.dma_semaphore, #tpu.memory_space<semaphore_mem>>)
      } else {
      }
      %add3A_50 = arith.constant 1 : i32
      %add3A_51 = arith.addi %mul3A_28, %add3A_50 : i32
      %dma_wait3A_52 = arith.constant 0 : i32
      %dma_wait3A_53 = tpu.memref_slice %arg2[%mul3A_2, %dma_wait3A_52] : memref<131072x128xf32, #tpu.memory_space<hbm>> -> memref<128x128xf32, #tpu.memory_space<hbm>>
      %dma_wait3A_54 = arith.constant 0 : i32
      %dma_wait3A_55 = tpu.memref_slice %arg2[%mul3A_2, %dma_wait3A_54] : memref<131072x128xf32, #tpu.memory_space<hbm>> -> memref<128x128xf32, #tpu.memory_space<hbm>>
      tpu.wait_dma2 semaphore(%arg9 : memref<!tpu.dma_semaphore, #tpu.memory_space<semaphore_mem>>) src(%dma_wait3A_55 : memref<128x128xf32, #tpu.memory_space<hbm>>) dst(%arg5 : memref<128x128xf32, #tpu.memory_space<vmem>>)
      %ge3A_56 = arith.constant 2 : i32
      %ge3A_57 = arith.cmpi sge, %add3A_51, %ge3A_56 : i32
      %convert_element_type3A_58 = arith.extui %ge3A_57 : i1 to i32
      %cond3A_59 = arith.constant 0 : i32
      %cond3A_60 = arith.cmpi ne, %convert_element_type3A_58, %cond3A_59 : i32
      scf.if %cond3A_60 {
        %dma_wait3A_78 = arith.constant 0 : i32
        %dma_wait3A_79 = tpu.memref_slice %arg3[%mul3A_2, %dma_wait3A_78] : memref<131072x128xf32, #tpu.memory_space<hbm>> -> memref<128x128xf32, #tpu.memory_space<hbm>>
        %dma_wait3A_80 = arith.constant 0 : i32
        %dma_wait3A_81 = tpu.memref_slice %arg3[%mul3A_2, %dma_wait3A_80] : memref<131072x128xf32, #tpu.memory_space<hbm>> -> memref<128x128xf32, #tpu.memory_space<hbm>>
        tpu.wait_dma2 semaphore(%arg11 : memref<!tpu.dma_semaphore, #tpu.memory_space<semaphore_mem>>) src(%arg7 : memref<128x128xf32, #tpu.memory_space<vmem>>) dst(%dma_wait3A_81 : memref<128x128xf32, #tpu.memory_space<hbm>>)
      } else {
      }
      %parallel_loop3A_61 = arith.constant 0 : i32
      %parallel_loop3A_62 = arith.constant 128 : i32
      %parallel_loop3A_63 = arith.constant 1 : i32
      scf.for %parallel_loop3A_78 = %parallel_loop3A_61 to %parallel_loop3A_62 step %parallel_loop3A_63  : i32 {
        %parallel_loop3A_79 = arith.index_cast %parallel_loop3A_78 : i32 to index
        %parallel_loop3A_80 = arith.constant 0 : index
        %parallel_loop3A_81 = tpu.vector_load %arg5[%parallel_loop3A_79, %parallel_loop3A_80] {strides = array<i32>} : memref<128x128xf32, #tpu.memory_space<vmem>>, vector<16xf32>,
        %parallel_loop3A_82 = arith.index_cast %parallel_loop3A_78 : i32 to index
        %parallel_loop3A_83 = arith.constant 16 : index
        %parallel_loop3A_84 = tpu.vector_load %arg5[%parallel_loop3A_82, %parallel_loop3A_83] {strides = array<i32>} : memref<128x128xf32, #tpu.memory_space<vmem>>, vector<16xf32>,
        %parallel_loop3A_85 = arith.index_cast %parallel_loop3A_78 : i32 to index
        %parallel_loop3A_86 = arith.constant 32 : index
        %parallel_loop3A_87 = tpu.vector_load %arg5[%parallel_loop3A_85, %parallel_loop3A_86] {strides = array<i32>} : memref<128x128xf32, #tpu.memory_space<vmem>>, vector<16xf32>,
        %parallel_loop3A_88 = arith.index_cast %parallel_loop3A_78 : i32 to index
        %parallel_loop3A_89 = arith.constant 48 : index
        %parallel_loop3A_90 = tpu.vector_load %arg5[%parallel_loop3A_88, %parallel_loop3A_89] {strides = array<i32>} : memref<128x128xf32, #tpu.memory_space<vmem>>, vector<16xf32>,
        %parallel_loop3A_91 = arith.index_cast %parallel_loop3A_78 : i32 to index
        %parallel_loop3A_92 = arith.constant 64 : index
        %parallel_loop3A_93 = tpu.vector_load %arg5[%parallel_loop3A_91, %parallel_loop3A_92] {strides = array<i32>} : memref<128x128xf32, #tpu.memory_space<vmem>>, vector<16xf32>,
        %parallel_loop3A_94 = arith.index_cast %parallel_loop3A_78 : i32 to index
        %parallel_loop3A_95 = arith.constant 80 : index
        %parallel_loop3A_96 = tpu.vector_load %arg5[%parallel_loop3A_94, %parallel_loop3A_95] {strides = array<i32>} : memref<128x128xf32, #tpu.memory_space<vmem>>, vector<16xf32>,
        %parallel_loop3A_97 = arith.index_cast %parallel_loop3A_78 : i32 to index
        %parallel_loop3A_98 = arith.constant 96 : index
        %parallel_loop3A_99 = tpu.vector_load %arg5[%parallel_loop3A_97, %parallel_loop3A_98] {strides = array<i32>} : memref<128x128xf32, #tpu.memory_space<vmem>>, vector<16xf32>,
        %parallel_loop3A_100 = arith.index_cast %parallel_loop3A_78 : i32 to index
        %parallel_loop3A_101 = arith.constant 112 : index
        %parallel_loop3A_102 = tpu.vector_load %arg5[%parallel_loop3A_100, %parallel_loop3A_101] {strides = array<i32>} : memref<128x128xf32, #tpu.memory_space<vmem>>, vector<16xf32>,
        %parallel_loop3A_103 = arith.minimumf %parallel_loop3A_81, %parallel_loop3A_84 : vector<16xf32>
        %parallel_loop3A_104 = arith.minimumf %parallel_loop3A_87, %parallel_loop3A_90 : vector<16xf32>
        %parallel_loop3A_105 = arith.minimumf %parallel_loop3A_103, %parallel_loop3A_104 : vector<16xf32>
        %parallel_loop3A_106 = arith.minimumf %parallel_loop3A_93, %parallel_loop3A_96 : vector<16xf32>
        %parallel_loop3A_107 = arith.minimumf %parallel_loop3A_99, %parallel_loop3A_102 : vector<16xf32>
        %parallel_loop3A_108 = arith.minimumf %parallel_loop3A_106, %parallel_loop3A_107 : vector<16xf32>
        %parallel_loop3A_109 = arith.minimumf %parallel_loop3A_105, %parallel_loop3A_108 : vector<16xf32>
        %parallel_loop3A_110 = arith.maximumf %parallel_loop3A_81, %parallel_loop3A_84 : vector<16xf32>
        %parallel_loop3A_111 = arith.maximumf %parallel_loop3A_87, %parallel_loop3A_90 : vector<16xf32>
        %parallel_loop3A_112 = arith.maximumf %parallel_loop3A_110, %parallel_loop3A_111 : vector<16xf32>
        %parallel_loop3A_113 = arith.maximumf %parallel_loop3A_93, %parallel_loop3A_96 : vector<16xf32>
        %parallel_loop3A_114 = arith.maximumf %parallel_loop3A_99, %parallel_loop3A_102 : vector<16xf32>
        %parallel_loop3A_115 = arith.maximumf %parallel_loop3A_113, %parallel_loop3A_114 : vector<16xf32>
        %parallel_loop3A_116 = arith.maximumf %parallel_loop3A_112, %parallel_loop3A_115 : vector<16xf32>
        %parallel_loop3A_117 = arith.constant true
        %parallel_loop3A_118 = vector.broadcast %parallel_loop3A_117 : i1 to vector<16xi1>
        %parallel_loop3A_119 = tpu.scan <min>, %parallel_loop3A_109 masked %parallel_loop3A_118 : vector<16xf32>, vector<16xi1> -> vector<16xf32>
        %parallel_loop3A_120 = vector.extract %parallel_loop3A_119[15] : f32 from vector<16xf32>
        %parallel_loop3A_121 = vector.broadcast %parallel_loop3A_120 : f32 to vector<16xf32>
        %parallel_loop3A_122 = arith.constant true
        %parallel_loop3A_123 = vector.broadcast %parallel_loop3A_122 : i1 to vector<16xi1>
        %parallel_loop3A_124 = tpu.scan <max>, %parallel_loop3A_116 masked %parallel_loop3A_123 : vector<16xf32>, vector<16xi1> -> vector<16xf32>
        %parallel_loop3A_125 = vector.extract %parallel_loop3A_124[15] : f32 from vector<16xf32>
        %parallel_loop3A_126 = vector.broadcast %parallel_loop3A_125 : f32 to vector<16xf32>
        %parallel_loop3A_127 = arith.subf %parallel_loop3A_126, %parallel_loop3A_121 : vector<16xf32>
        %parallel_loop3A_128 = arith.constant 1.000000e-30 : f32
        %parallel_loop3A_129 = vector.broadcast %parallel_loop3A_128 : f32 to vector<16xf32>
        %parallel_loop3A_130 = arith.maximumf %parallel_loop3A_127, %parallel_loop3A_129 : vector<16xf32>
        %parallel_loop3A_131 = arith.constant 7.000000e+00 : f32
        %parallel_loop3A_132 = vector.broadcast %parallel_loop3A_131 : f32 to vector<16xf32>
        %parallel_loop3A_133 = arith.divf %parallel_loop3A_132, %parallel_loop3A_130 : vector<16xf32>
        %parallel_loop3A_134 = arith.constant 0.142857149 : f32
        %parallel_loop3A_135 = vector.broadcast %parallel_loop3A_134 : f32 to vector<16xf32>
        %parallel_loop3A_136 = arith.mulf %parallel_loop3A_130, %parallel_loop3A_135 : vector<16xf32>
        %parallel_loop3A_137 = arith.subf %parallel_loop3A_81, %parallel_loop3A_121 : vector<16xf32>
        %parallel_loop3A_138 = arith.mulf %parallel_loop3A_137, %parallel_loop3A_133 : vector<16xf32>
        %parallel_loop3A_139 = arith.constant 0x4B000000 : f32
        %parallel_loop3A_140 = vector.broadcast %parallel_loop3A_139 : f32 to vector<16xf32>
        %parallel_loop3A_141 = arith.addf %parallel_loop3A_138, %parallel_loop3A_140 : vector<16xf32>
        %parallel_loop3A_142 = arith.constant 0x4B000000 : f32
        %parallel_loop3A_143 = vector.broadcast %parallel_loop3A_142 : f32 to vector<16xf32>
        %parallel_loop3A_144 = arith.subf %parallel_loop3A_141, %parallel_loop3A_143 : vector<16xf32>
        %parallel_loop3A_145 = arith.mulf %parallel_loop3A_144, %parallel_loop3A_136 : vector<16xf32>
        %parallel_loop3A_146 = arith.index_cast %parallel_loop3A_78 : i32 to index
        %parallel_loop3A_147 = arith.constant 0 : index
        %parallel_loop3A_148 = tpu.vector_load %arg7[%parallel_loop3A_146, %parallel_loop3A_147] {strides = array<i32>} : memref<128x128xf32, #tpu.memory_space<vmem>>, vector<16xf32>,
        tpu.vector_store %arg7[%parallel_loop3A_146, %parallel_loop3A_147], %parallel_loop3A_145 {strides = array<i32>} : memref<128x128xf32, #tpu.memory_space<vmem>>, vector<16xf32>,
        %parallel_loop3A_149 = arith.index_cast %parallel_loop3A_78 : i32 to index
        %parallel_loop3A_150 = arith.constant 0 : index
        %parallel_loop3A_151 = tpu.vector_load %arg7[%parallel_loop3A_149, %parallel_loop3A_150] {strides = array<i32>} : memref<128x128xf32, #tpu.memory_space<vmem>>, vector<16xf32>,
        tpu.vector_store %arg7[%parallel_loop3A_149, %parallel_loop3A_150], %parallel_loop3A_121 {add = true, strides = array<i32>} : memref<128x128xf32, #tpu.memory_space<vmem>>, vector<16xf32>,
        %parallel_loop3A_152 = arith.subf %parallel_loop3A_84, %parallel_loop3A_121 : vector<16xf32>
        %parallel_loop3A_153 = arith.mulf %parallel_loop3A_152, %parallel_loop3A_133 : vector<16xf32>
        %parallel_loop3A_154 = arith.constant 0x4B000000 : f32
        %parallel_loop3A_155 = vector.broadcast %parallel_loop3A_154 : f32 to vector<16xf32>
        %parallel_loop3A_156 = arith.addf %parallel_loop3A_153, %parallel_loop3A_155 : vector<16xf32>
        %parallel_loop3A_157 = arith.constant 0x4B000000 : f32
        %parallel_loop3A_158 = vector.broadcast %parallel_loop3A_157 : f32 to vector<16xf32>
        %parallel_loop3A_159 = arith.subf %parallel_loop3A_156, %parallel_loop3A_158 : vector<16xf32>
        %parallel_loop3A_160 = arith.mulf %parallel_loop3A_159, %parallel_loop3A_136 : vector<16xf32>
        %parallel_loop3A_161 = arith.index_cast %parallel_loop3A_78 : i32 to index
        %parallel_loop3A_162 = arith.constant 16 : index
        %parallel_loop3A_163 = tpu.vector_load %arg7[%parallel_loop3A_161, %parallel_loop3A_162] {strides = array<i32>} : memref<128x128xf32, #tpu.memory_space<vmem>>, vector<16xf32>,
        tpu.vector_store %arg7[%parallel_loop3A_161, %parallel_loop3A_162], %parallel_loop3A_160 {strides = array<i32>} : memref<128x128xf32, #tpu.memory_space<vmem>>, vector<16xf32>,
        %parallel_loop3A_164 = arith.index_cast %parallel_loop3A_78 : i32 to index
        %parallel_loop3A_165 = arith.constant 16 : index
        %parallel_loop3A_166 = tpu.vector_load %arg7[%parallel_loop3A_164, %parallel_loop3A_165] {strides = array<i32>} : memref<128x128xf32, #tpu.memory_space<vmem>>, vector<16xf32>,
        tpu.vector_store %arg7[%parallel_loop3A_164, %parallel_loop3A_165], %parallel_loop3A_121 {add = true, strides = array<i32>} : memref<128x128xf32, #tpu.memory_space<vmem>>, vector<16xf32>,
        %parallel_loop3A_167 = arith.subf %parallel_loop3A_87, %parallel_loop3A_121 : vector<16xf32>
        %parallel_loop3A_168 = arith.mulf %parallel_loop3A_167, %parallel_loop3A_133 : vector<16xf32>
        %parallel_loop3A_169 = arith.constant 0x4B000000 : f32
        %parallel_loop3A_170 = vector.broadcast %parallel_loop3A_169 : f32 to vector<16xf32>
        %parallel_loop3A_171 = arith.addf %parallel_loop3A_168, %parallel_loop3A_170 : vector<16xf32>
        %parallel_loop3A_172 = arith.constant 0x4B000000 : f32
        %parallel_loop3A_173 = vector.broadcast %parallel_loop3A_172 : f32 to vector<16xf32>
        %parallel_loop3A_174 = arith.subf %parallel_loop3A_171, %parallel_loop3A_173 : vector<16xf32>
        %parallel_loop3A_175 = arith.mulf %parallel_loop3A_174, %parallel_loop3A_136 : vector<16xf32>
        %parallel_loop3A_176 = arith.index_cast %parallel_loop3A_78 : i32 to index
        %parallel_loop3A_177 = arith.constant 32 : index
        %parallel_loop3A_178 = tpu.vector_load %arg7[%parallel_loop3A_176, %parallel_loop3A_177] {strides = array<i32>} : memref<128x128xf32, #tpu.memory_space<vmem>>, vector<16xf32>,
        tpu.vector_store %arg7[%parallel_loop3A_176, %parallel_loop3A_177], %parallel_loop3A_175 {strides = array<i32>} : memref<128x128xf32, #tpu.memory_space<vmem>>, vector<16xf32>,
        %parallel_loop3A_179 = arith.index_cast %parallel_loop3A_78 : i32 to index
        %parallel_loop3A_180 = arith.constant 32 : index
        %parallel_loop3A_181 = tpu.vector_load %arg7[%parallel_loop3A_179, %parallel_loop3A_180] {strides = array<i32>} : memref<128x128xf32, #tpu.memory_space<vmem>>, vector<16xf32>,
        tpu.vector_store %arg7[%parallel_loop3A_179, %parallel_loop3A_180], %parallel_loop3A_121 {add = true, strides = array<i32>} : memref<128x128xf32, #tpu.memory_space<vmem>>, vector<16xf32>,
        %parallel_loop3A_182 = arith.subf %parallel_loop3A_90, %parallel_loop3A_121 : vector<16xf32>
        %parallel_loop3A_183 = arith.mulf %parallel_loop3A_182, %parallel_loop3A_133 : vector<16xf32>
        %parallel_loop3A_184 = arith.constant 0x4B000000 : f32
        %parallel_loop3A_185 = vector.broadcast %parallel_loop3A_184 : f32 to vector<16xf32>
        %parallel_loop3A_186 = arith.addf %parallel_loop3A_183, %parallel_loop3A_185 : vector<16xf32>
        %parallel_loop3A_187 = arith.constant 0x4B000000 : f32
        %parallel_loop3A_188 = vector.broadcast %parallel_loop3A_187 : f32 to vector<16xf32>
        %parallel_loop3A_189 = arith.subf %parallel_loop3A_186, %parallel_loop3A_188 : vector<16xf32>
        %parallel_loop3A_190 = arith.mulf %parallel_loop3A_189, %parallel_loop3A_136 : vector<16xf32>
        %parallel_loop3A_191 = arith.index_cast %parallel_loop3A_78 : i32 to index
        %parallel_loop3A_192 = arith.constant 48 : index
        %parallel_loop3A_193 = tpu.vector_load %arg7[%parallel_loop3A_191, %parallel_loop3A_192] {strides = array<i32>} : memref<128x128xf32, #tpu.memory_space<vmem>>, vector<16xf32>,
        tpu.vector_store %arg7[%parallel_loop3A_191, %parallel_loop3A_192], %parallel_loop3A_190 {strides = array<i32>} : memref<128x128xf32, #tpu.memory_space<vmem>>, vector<16xf32>,
        %parallel_loop3A_194 = arith.index_cast %parallel_loop3A_78 : i32 to index
        %parallel_loop3A_195 = arith.constant 48 : index
        %parallel_loop3A_196 = tpu.vector_load %arg7[%parallel_loop3A_194, %parallel_loop3A_195] {strides = array<i32>} : memref<128x128xf32, #tpu.memory_space<vmem>>, vector<16xf32>,
        tpu.vector_store %arg7[%parallel_loop3A_194, %parallel_loop3A_195], %parallel_loop3A_121 {add = true, strides = array<i32>} : memref<128x128xf32, #tpu.memory_space<vmem>>, vector<16xf32>,
        %parallel_loop3A_197 = arith.subf %parallel_loop3A_93, %parallel_loop3A_121 : vector<16xf32>
        %parallel_loop3A_198 = arith.mulf %parallel_loop3A_197, %parallel_loop3A_133 : vector<16xf32>
        %parallel_loop3A_199 = arith.constant 0x4B000000 : f32
        %parallel_loop3A_200 = vector.broadcast %parallel_loop3A_199 : f32 to vector<16xf32>
        %parallel_loop3A_201 = arith.addf %parallel_loop3A_198, %parallel_loop3A_200 : vector<16xf32>
        %parallel_loop3A_202 = arith.constant 0x4B000000 : f32
        %parallel_loop3A_203 = vector.broadcast %parallel_loop3A_202 : f32 to vector<16xf32>
        %parallel_loop3A_204 = arith.subf %parallel_loop3A_201, %parallel_loop3A_203 : vector<16xf32>
        %parallel_loop3A_205 = arith.mulf %parallel_loop3A_204, %parallel_loop3A_136 : vector<16xf32>
        %parallel_loop3A_206 = arith.index_cast %parallel_loop3A_78 : i32 to index
        %parallel_loop3A_207 = arith.constant 64 : index
        %parallel_loop3A_208 = tpu.vector_load %arg7[%parallel_loop3A_206, %parallel_loop3A_207] {strides = array<i32>} : memref<128x128xf32, #tpu.memory_space<vmem>>, vector<16xf32>,
        tpu.vector_store %arg7[%parallel_loop3A_206, %parallel_loop3A_207], %parallel_loop3A_205 {strides = array<i32>} : memref<128x128xf32, #tpu.memory_space<vmem>>, vector<16xf32>,
        %parallel_loop3A_209 = arith.index_cast %parallel_loop3A_78 : i32 to index
        %parallel_loop3A_210 = arith.constant 64 : index
        %parallel_loop3A_211 = tpu.vector_load %arg7[%parallel_loop3A_209, %parallel_loop3A_210] {strides = array<i32>} : memref<128x128xf32, #tpu.memory_space<vmem>>, vector<16xf32>,
        tpu.vector_store %arg7[%parallel_loop3A_209, %parallel_loop3A_210], %parallel_loop3A_121 {add = true, strides = array<i32>} : memref<128x128xf32, #tpu.memory_space<vmem>>, vector<16xf32>,
        %parallel_loop3A_212 = arith.subf %parallel_loop3A_96, %parallel_loop3A_121 : vector<16xf32>
        %parallel_loop3A_213 = arith.mulf %parallel_loop3A_212, %parallel_loop3A_133 : vector<16xf32>
        %parallel_loop3A_214 = arith.constant 0x4B000000 : f32
        %parallel_loop3A_215 = vector.broadcast %parallel_loop3A_214 : f32 to vector<16xf32>
        %parallel_loop3A_216 = arith.addf %parallel_loop3A_213, %parallel_loop3A_215 : vector<16xf32>
        %parallel_loop3A_217 = arith.constant 0x4B000000 : f32
        %parallel_loop3A_218 = vector.broadcast %parallel_loop3A_217 : f32 to vector<16xf32>
        %parallel_loop3A_219 = arith.subf %parallel_loop3A_216, %parallel_loop3A_218 : vector<16xf32>
        %parallel_loop3A_220 = arith.mulf %parallel_loop3A_219, %parallel_loop3A_136 : vector<16xf32>
        %parallel_loop3A_221 = arith.index_cast %parallel_loop3A_78 : i32 to index
        %parallel_loop3A_222 = arith.constant 80 : index
        %parallel_loop3A_223 = tpu.vector_load %arg7[%parallel_loop3A_221, %parallel_loop3A_222] {strides = array<i32>} : memref<128x128xf32, #tpu.memory_space<vmem>>, vector<16xf32>,
        tpu.vector_store %arg7[%parallel_loop3A_221, %parallel_loop3A_222], %parallel_loop3A_220 {strides = array<i32>} : memref<128x128xf32, #tpu.memory_space<vmem>>, vector<16xf32>,
        %parallel_loop3A_224 = arith.index_cast %parallel_loop3A_78 : i32 to index
        %parallel_loop3A_225 = arith.constant 80 : index
        %parallel_loop3A_226 = tpu.vector_load %arg7[%parallel_loop3A_224, %parallel_loop3A_225] {strides = array<i32>} : memref<128x128xf32, #tpu.memory_space<vmem>>, vector<16xf32>,
        tpu.vector_store %arg7[%parallel_loop3A_224, %parallel_loop3A_225], %parallel_loop3A_121 {add = true, strides = array<i32>} : memref<128x128xf32, #tpu.memory_space<vmem>>, vector<16xf32>,
        %parallel_loop3A_227 = arith.subf %parallel_loop3A_99, %parallel_loop3A_121 : vector<16xf32>
        %parallel_loop3A_228 = arith.mulf %parallel_loop3A_227, %parallel_loop3A_133 : vector<16xf32>
        %parallel_loop3A_229 = arith.constant 0x4B000000 : f32
        %parallel_loop3A_230 = vector.broadcast %parallel_loop3A_229 : f32 to vector<16xf32>
        %parallel_loop3A_231 = arith.addf %parallel_loop3A_228, %parallel_loop3A_230 : vector<16xf32>
        %parallel_loop3A_232 = arith.constant 0x4B000000 : f32
        %parallel_loop3A_233 = vector.broadcast %parallel_loop3A_232 : f32 to vector<16xf32>
        %parallel_loop3A_234 = arith.subf %parallel_loop3A_231, %parallel_loop3A_233 : vector<16xf32>
        %parallel_loop3A_235 = arith.mulf %parallel_loop3A_234, %parallel_loop3A_136 : vector<16xf32>
        %parallel_loop3A_236 = arith.index_cast %parallel_loop3A_78 : i32 to index
        %parallel_loop3A_237 = arith.constant 96 : index
        %parallel_loop3A_238 = tpu.vector_load %arg7[%parallel_loop3A_236, %parallel_loop3A_237] {strides = array<i32>} : memref<128x128xf32, #tpu.memory_space<vmem>>, vector<16xf32>,
        tpu.vector_store %arg7[%parallel_loop3A_236, %parallel_loop3A_237], %parallel_loop3A_235 {strides = array<i32>} : memref<128x128xf32, #tpu.memory_space<vmem>>, vector<16xf32>,
        %parallel_loop3A_239 = arith.index_cast %parallel_loop3A_78 : i32 to index
        %parallel_loop3A_240 = arith.constant 96 : index
        %parallel_loop3A_241 = tpu.vector_load %arg7[%parallel_loop3A_239, %parallel_loop3A_240] {strides = array<i32>} : memref<128x128xf32, #tpu.memory_space<vmem>>, vector<16xf32>,
        tpu.vector_store %arg7[%parallel_loop3A_239, %parallel_loop3A_240], %parallel_loop3A_121 {add = true, strides = array<i32>} : memref<128x128xf32, #tpu.memory_space<vmem>>, vector<16xf32>,
        %parallel_loop3A_242 = arith.subf %parallel_loop3A_102, %parallel_loop3A_121 : vector<16xf32>
        %parallel_loop3A_243 = arith.mulf %parallel_loop3A_242, %parallel_loop3A_133 : vector<16xf32>
        %parallel_loop3A_244 = arith.constant 0x4B000000 : f32
        %parallel_loop3A_245 = vector.broadcast %parallel_loop3A_244 : f32 to vector<16xf32>
        %parallel_loop3A_246 = arith.addf %parallel_loop3A_243, %parallel_loop3A_245 : vector<16xf32>
        %parallel_loop3A_247 = arith.constant 0x4B000000 : f32
        %parallel_loop3A_248 = vector.broadcast %parallel_loop3A_247 : f32 to vector<16xf32>
        %parallel_loop3A_249 = arith.subf %parallel_loop3A_246, %parallel_loop3A_248 : vector<16xf32>
        %parallel_loop3A_250 = arith.mulf %parallel_loop3A_249, %parallel_loop3A_136 : vector<16xf32>
        %parallel_loop3A_251 = arith.index_cast %parallel_loop3A_78 : i32 to index
        %parallel_loop3A_252 = arith.constant 112 : index
        %parallel_loop3A_253 = tpu.vector_load %arg7[%parallel_loop3A_251, %parallel_loop3A_252] {strides = array<i32>} : memref<128x128xf32, #tpu.memory_space<vmem>>, vector<16xf32>,
        tpu.vector_store %arg7[%parallel_loop3A_251, %parallel_loop3A_252], %parallel_loop3A_250 {strides = array<i32>} : memref<128x128xf32, #tpu.memory_space<vmem>>, vector<16xf32>,
        %parallel_loop3A_254 = arith.index_cast %parallel_loop3A_78 : i32 to index
        %parallel_loop3A_255 = arith.constant 112 : index
        %parallel_loop3A_256 = tpu.vector_load %arg7[%parallel_loop3A_254, %parallel_loop3A_255] {strides = array<i32>} : memref<128x128xf32, #tpu.memory_space<vmem>>, vector<16xf32>,
        tpu.vector_store %arg7[%parallel_loop3A_254, %parallel_loop3A_255], %parallel_loop3A_121 {add = true, strides = array<i32>} : memref<128x128xf32, #tpu.memory_space<vmem>>, vector<16xf32>,
      } {sc.loop_unroll_factor = 2 : i64, sc.parallel_access}
      %mul3A_64 = arith.constant 128 : i32
      %mul3A_65 = arith.muli %add3A_51, %mul3A_64 : i32
      %add3A_66 = arith.addi %mul3A_2, %mul3A_65 : i32
      %dma_start3A_67 = arith.constant 0 : i32
      %dma_start3A_68 = tpu.memref_slice %arg3[%add3A_66, %dma_start3A_67] : memref<131072x128xf32, #tpu.memory_space<hbm>> -> memref<128x128xf32, #tpu.memory_space<hbm>>
      %dma_start3A_69 = arith.constant 0 : i32
      %dma_start3A_70 = tpu.memref_slice %arg3[%add3A_66, %dma_start3A_69] : memref<131072x128xf32, #tpu.memory_space<hbm>> -> memref<128x128xf32, #tpu.memory_space<hbm>>
      tpu.enqueue_dma source(%arg7 : memref<128x128xf32, #tpu.memory_space<vmem>>) target(%dma_start3A_70 : memref<128x128xf32, #tpu.memory_space<hbm>>) target_semaphore(%arg11 : memref<!tpu.dma_semaphore, #tpu.memory_space<semaphore_mem>>)
      %add3A_71 = arith.constant 2 : i32
      %add3A_72 = arith.addi %add3A_51, %add3A_71 : i32
      %lt3A_73 = arith.constant 32 : i32
      %lt3A_74 = arith.cmpi slt, %add3A_72, %lt3A_73 : i32
      %convert_element_type3A_75 = arith.extui %lt3A_74 : i1 to i32
      %cond3A_76 = arith.constant 0 : i32
      %cond3A_77 = arith.cmpi ne, %convert_element_type3A_75, %cond3A_76 : i32
      scf.if %cond3A_77 {
        %add3A_78 = arith.constant 2 : i32
        %add3A_79 = arith.addi %add3A_51, %add3A_78 : i32
        %mul3A_80 = arith.constant 128 : i32
        %mul3A_81 = arith.muli %add3A_79, %mul3A_80 : i32
        %add3A_82 = arith.addi %mul3A_2, %mul3A_81 : i32
        %dma_start3A_83 = arith.constant 0 : i32
        %dma_start3A_84 = tpu.memref_slice %arg2[%add3A_82, %dma_start3A_83] : memref<131072x128xf32, #tpu.memory_space<hbm>> -> memref<128x128xf32, #tpu.memory_space<hbm>>
        %dma_start3A_85 = arith.constant 0 : i32
        %dma_start3A_86 = tpu.memref_slice %arg2[%add3A_82, %dma_start3A_85] : memref<131072x128xf32, #tpu.memory_space<hbm>> -> memref<128x128xf32, #tpu.memory_space<hbm>>
        tpu.enqueue_dma source(%dma_start3A_86 : memref<128x128xf32, #tpu.memory_space<hbm>>) target(%arg5 : memref<128x128xf32, #tpu.memory_space<vmem>>) target_semaphore(%arg9 : memref<!tpu.dma_semaphore, #tpu.memory_space<semaphore_mem>>)
      } else {
      }
    }
    %scan3A_18 = arith.constant 16 : i32
    %dma_wait3A = arith.constant 0 : i32
    %dma_wait3A_19 = tpu.memref_slice %arg3[%mul3A_2, %dma_wait3A] : memref<131072x128xf32, #tpu.memory_space<hbm>> -> memref<128x128xf32, #tpu.memory_space<hbm>>
    %dma_wait3A_20 = arith.constant 0 : i32
    %dma_wait3A_21 = tpu.memref_slice %arg3[%mul3A_2, %dma_wait3A_20] : memref<131072x128xf32, #tpu.memory_space<hbm>> -> memref<128x128xf32, #tpu.memory_space<hbm>>
    tpu.wait_dma2 semaphore(%arg10 : memref<!tpu.dma_semaphore, #tpu.memory_space<semaphore_mem>>) src(%arg6 : memref<128x128xf32, #tpu.memory_space<vmem>>) dst(%dma_wait3A_21 : memref<128x128xf32, #tpu.memory_space<hbm>>)
    %dma_wait3A_22 = arith.constant 0 : i32
    %dma_wait3A_23 = tpu.memref_slice %arg3[%mul3A_2, %dma_wait3A_22] : memref<131072x128xf32, #tpu.memory_space<hbm>> -> memref<128x128xf32, #tpu.memory_space<hbm>>
    %dma_wait3A_24 = arith.constant 0 : i32
    %dma_wait3A_25 = tpu.memref_slice %arg3[%mul3A_2, %dma_wait3A_24] : memref<131072x128xf32, #tpu.memory_space<hbm>> -> memref<128x128xf32, #tpu.memory_space<hbm>>
    tpu.wait_dma2 semaphore(%arg11 : memref<!tpu.dma_semaphore, #tpu.memory_space<semaphore_mem>>) src(%arg7 : memref<128x128xf32, #tpu.memory_space<vmem>>) dst(%dma_wait3A_25 : memref<128x128xf32, #tpu.memory_space<hbm>>)
    return
  }
}

</mosaic_0001>

<sc_bundles>
// kernel: kernel.3.cloned.1.call-start
scs
__scs_entry_jumppad:
0x0: {  	(pc) =	sbr.rel $0x88, $3  }
0x1: {  	(tag) =	ssettag $0x0;
	lr =	simm.s32 $0x1  }
0x2: {  	[smem:$0x3FA0] =	sst lr;
	_ =	strace $0xD0000000  }
0x3: {  	_ = 	snop  }
0x4: {  	_ = 	snop  }
0x5: {  	_ = 	snop  }
0x6: {  	_ = 	snop  }
0x7: {  	_ = 	snop  }
__scs_overlays_trampoline_lowered:
0x8: {  	[smem:$0x3FAF] =	sst s0  }
0x9: {  	[smem:$0x3FB0] =	sst s1  }
0xa: {  	[smem:$0x3FB1] =	sst s2  }
0xb: {  	[smem:$0x3FB2] =	sst s3  }
0xc: {  	[smem:$0x3FB3] =	sst s4  }
0xd: {  	[smem:$0x3FB4] =	sst s5  }
0xe: {  	[smem:$0x3FB5] =	sst s6  }
0xf: {  	[smem:$0x3FB6] =	sst s7  }
0x10: {  	[smem:$0x3FB7] =	sst s8  }
0x11: {  	[smem:$0x3FB8] =	sst s9;
	s0 =	simm.s32 @!p0 $0x0  }
0x12: {  	s1 =	sld [smem:$0x3F9E];
	s0 =	simm.s32 @p0 $0x1  }
0x13: {  	[smem:$0x3FB9] =	sst s0;
	s0 =	simm.s32 @!p1 $0x0  }
0x14: {  	s2 =	sld [smem:$0x3F9D];
	s0 =	simm.s32 @p1 $0x1  }
0x15: {  	[smem:$0x3FBA] =	sst s0;
	s0 =	simm.s32 @!p2 $0x0  }
0x16: {  	s3 =	sld [smem:$0x3FDB];
	s0 =	simm.s32 @p2 $0x1  }
0x17: {  	s4 =	simm.s32 $0x1BF5;
	[smem:$0x3FBC] =	sst s0  }
0x18: {  	s0 =	sld [smem:$0x3F9F];
	_ =	swait.ge [sflag:s4], $0x0  }
0x19: {  	s7 =	sld [smem:$0x3FA0]  }
0x1a: {  	s8 =	sadd.s32 $0xFFFFE003, lr  }
0x1b: {  	s9 =	sadd.s32 $0xFFFFFEF7, lr;
	s5 =	simm.s32 $0xFFFFFFFF;
	p2 =	slt.u32 s8, $0xFFFFF086  }
0x1c: {  	p1 =	slt.u32 s9, $0xF7A;
	s5 =	simm.s32 @!p2 $0x0  }
0x1d: {  	s5 =	simm.s32 @p1 $0x1;
	p0 =	seq.s32 s7, s2  }
0x1e: {  	s7 =	smul.u32 @!p0 $0xF7A, s2;
	p2 =	seq.s32 @!p0 s5, $0x0  }
0x1f: {  	s9 =	smul.u32 $0xF7A, s1;
	s8 =	simm.s32 @!p0 $0x1BF5;
	p2 =	por !p2, p0  }
0x20: {  	[sflag:s8] =	ssyncset.s32 @!p0 $0xFFFFF086;
	s6 =	sadd.s32 @!p0 s3, s7;
	s7 =	simm.s32 @!p0 $0x108  }
0x21: {  	s3 =	sadd.s32 s3, s9;
	s6 =	sadd.s32 @!p0 $0x88, s6;
	s7 =	simm.s32 @p2 $0x1082  }
0x22: {  	[simem:s7], [sflag:s8] =	dma.local @!p0 [hbm:s6], $0xF7A  }
0x23: {  	s9 =	sor.u32 $0xD0000000, s2;
	s6 =	simm.s32 $0x108;
	_ =	swait.ge @!p0 [sflag:s8], $0x0  }
0x24: {  	s3 =	sadd.s32 $0x88, s3;
	s6 =	simm.s32 @!p1 $0x1082;
	[sflag:s4] =	ssyncset.s32 $0xFFFFF086  }
0x25: {  	[simem:s6], [sflag:s4] =	dma.local [hbm:s3], $0xF7A  }
0x26: {  	[smem:$0x3FA0] =	sst s1;
	(tag) =	ssettag s2;
	_ =	strace s9  }
0x27: {  	s1 =	sld [smem:$0x3FB0]  }
0x28: {  	s2 =	sld [smem:$0x3FB1]  }
0x29: {  	s4 =	sld [smem:$0x3FB3]  }
0x2a: {  	p0 =	seq.s32 s5, $0x0;
	s5 =	sld [smem:$0x3FB4]  }
0x2b: {  	s6 =	sld [smem:$0x3FB5]  }
0x2c: {  	s7 =	sld [smem:$0x3FB6]  }
0x2d: {  	s3 =	simm.s32 $0x108;
	s8 =	sld [smem:$0x3FB7]  }
0x2e: {  	s3 =	simm.s32 @!p0 $0x1082;
	s9 =	sld [smem:$0x3FB8]  }
0x2f: {  	lr =	sadd.s32 s0, s3;
	s0 =	sld [smem:$0x3FAF]  }
0x30: {  	s3 =	sld [smem:$0x3FB2]  }
0x31: {  	[smem:$0x3FBB] =	sst s10  }
0x32: {  	s10 =	sld [smem:$0x3FB9];
	_ =	sdelay $0x3  }
0x33: {  	p0 =	seq.s32 s10, $0x1;
	s10 =	sld [smem:$0x3FBB];
	_ =	sdelay $0x3  }
0x34: {  	[smem:$0x3FBB] =	sst s10  }
0x35: {  	s10 =	sld [smem:$0x3FBA];
	_ =	sdelay $0x3  }
0x36: {  	p1 =	seq.s32 s10, $0x1;
	s10 =	sld [smem:$0x3FBB];
	_ =	sdelay $0x3  }
0x37: {  	[smem:$0x3FBB] =	sst s10  }
0x38: {  	s10 =	sld [smem:$0x3FBC]  }
0x39: {  	_ = 	snop;
	(pc) =	sbr.ind lr, $3  }
0x3a: {  	_ = 	snop  }
0x3b: {  	_ = 	snop  }
0x3c: {  	p2 =	seq.s32 s10, $0x1;
	s10 =	sld [smem:$0x3FBB]  }
0x3d: {  	_ =	shalt  }
0x3e: {  	_ =	shalt  }
0x3f: {  	_ =	shalt  }
0x40: {  	_ =	shalt  }
0x41: {  	_ =	shalt  }
0x42: {  	_ =	shalt  }
0x43: {  	_ =	shalt  }
0x44: {  	_ =	shalt  }
0x45: {  	_ =	shalt  }
0x46: {  	_ =	shalt  }
0x47: {  	_ =	shalt  }
0x48: {  	_ =	shalt  }
0x49: {  	_ =	shalt  }
0x4a: {  	_ =	shalt  }
0x4b: {  	_ =	shalt  }
0x4c: {  	_ =	shalt  }
0x4d: {  	_ =	shalt  }
0x4e: {  	_ =	shalt  }
0x4f: {  	_ =	shalt  }
0x50: {  	_ =	shalt  }
0x51: {  	_ =	shalt  }
0x52: {  	_ =	shalt  }
0x53: {  	_ =	shalt  }
0x54: {  	_ =	shalt  }
0x55: {  	_ =	shalt  }
0x56: {  	_ =	shalt  }
0x57: {  	_ =	shalt  }
0x58: {  	_ =	shalt  }
0x59: {  	_ =	shalt  }
0x5a: {  	_ =	shalt  }
0x5b: {  	_ =	shalt  }
0x5c: {  	_ =	shalt  }
0x5d: {  	_ =	shalt  }
0x5e: {  	_ =	shalt  }
0x5f: {  	_ =	shalt  }
0x60: {  	_ =	shalt  }
0x61: {  	_ =	shalt  }
0x62: {  	_ =	shalt  }
0x63: {  	_ =	shalt  }
0x64: {  	_ =	shalt  }
0x65: {  	_ =	shalt  }
0x66: {  	_ =	shalt  }
0x67: {  	_ =	shalt  }
0x68: {  	_ =	shalt  }
0x69: {  	_ =	shalt  }
0x6a: {  	_ =	shalt  }
0x6b: {  	_ =	shalt  }
0x6c: {  	_ =	shalt  }
0x6d: {  	_ =	shalt  }
0x6e: {  	_ =	shalt  }
0x6f: {  	_ =	shalt  }
0x70: {  	_ =	shalt  }
0x71: {  	_ =	shalt  }
0x72: {  	_ =	shalt  }
0x73: {  	_ =	shalt  }
0x74: {  	_ =	shalt  }
0x75: {  	_ =	shalt  }
0x76: {  	_ =	shalt  }
0x77: {  	_ =	shalt  }
0x78: {  	_ =	shalt  }
0x79: {  	_ =	shalt  }
0x7a: {  	_ =	shalt  }
0x7b: {  	_ =	shalt  }
0x7c: {  	_ =	shalt  }
0x7d: {  	_ =	shalt  }
0x7e: {  	_ =	shalt  }
0x7f: {  	_ =	shalt  }
0x80: {  	_ =	shalt  }
0x81: {  	_ =	shalt  }
0x82: {  	_ =	shalt  }
0x83: {  	_ =	shalt  }
0x84: {  	_ =	shalt  }
0x85: {  	_ =	shalt  }
0x86: {  	_ =	shalt  }
0x87: {  	_ =	shalt  }
.Lfunc_end0:
.L_simem_size_0:
called_computation_lowered:
.L_overlay_start_0:
0x88: {  	s2 =	sld [smem:$0x3FD9]  }
0x89: {  	s3 =	sld [smem:$0x3FFE];
	_ =	sdelay $0x1  }
0x8a: {  	s1 =	srdreg.scid  }
0x8b: {  	s0 =	sand.u32 $0x1, s1  }
0x8c: {  	s18 =	sshll.u32 s0, $0xA;
	s2 =	sadd.s32 s3, s2  }
0x8d: {  	s2 =	sadd.s32 s2, s18  }
0x8e: {  	[smem:$0x3FC7] =	sst s2  }
0x8f: {  	_ = 	snop  }
0x90: {  	s2 =	sld [smem:$0x3FC9]  }
0x91: {  	s19 =	sld [smem:$0x3FD0];
	(tm) =	ssettm $0x1  }
0x92: {  	s4 =	sld [smem:$0x3FFB];
	_ =	sdelay $0x3  }
0x93: {  	_ =	strace s4  }
0x94: {  	s4 =	sld [smem:$0x3FFC];
	_ =	sdelay $0x3  }
0x95: {  	_ =	strace s4  }
0x96: {  	s4 =	sld [smem:$0x3FFD];
	_ =	sdelay $0x3  }
0x97: {  	_ =	strace s4  }
0x98: {  	_ =	strace $0x8FFFFFFF  }
0x99: {  	s20 =	sld [smem:$0x3FDB];
	_ =	sdelay $0x1  }
0x9a: {  	s5 =	simm.s32 $_scs_section_size  }
0x9b: {  	s6 =	simm.s32 $_size__tile_overlayer_lowered;
	s7 =	simm.s32 $_tile_overlayer_lowered  }
0x9c: {  	s23 =	simm.s32 $0x1BFF;
	s22 =	sshll.u32 s7, $0x1;
	s4 =	sadd.s32 s5, s20  }
0x9d: {  	s8 =	simm.s32 $0x0;
	s21 =	sshll.u32 s6, $0x1;
	s6 =	sadd.s32 s22, s4  }
0x9e: {  	[timem:s8], [sflag:s23] =	dma.local [hbm:s6], s21  }
0x9f: {  	_ =	swait.ge [sflag:s23], s21  }
0xa0: {  	s5 =	ssub.s32 $0x0, s21;
	[sflag:s23] =	ssyncset.done $0x0  }
0xa1: {  	[sflag:s23] =	ssyncadd.s32 s5;
	_ =	sdelay $0x1  }
0xa2: {  	s24 =	simm.s32 $0x1B8B  }
0xa3: {  	_ =	swait.ge [sflag:s24], $0x1  }
0xa4: {  	[sflag:s24] =	ssyncset.done $0x0  }
0xa5: {  	s25 =	simm.s32 $0x1B8E;
	[sflag:s24] =	ssyncadd.s32 $0xFFFFFFFF  }
0xa6: {  	s26 =	simm.s32 $execute0_lowered;
	[smem:$0x3FD2] =	sst s25  }
0xa7: {  	s5 =	sshll.u32 s26, $0x1;
	_ =	strace $0x80000046;
	[dreg:$0x1] =	wrdreg $0xFFFFFFFF  }
0xa8: {  	s28 =	simm.s32 $_size_execute0_lowered;
	s4 =	sadd.s32 s4, s5;
	[dreg:$0x0] =	wrdreg $0x0  }
0xa9: {  	s5 =	sshll.u32 s28, $0x1;
	[dreg:$0x2] =	wrdreg s4  }
0xaa: {  	[dreg:$0x3] =	wrdreg s5  }
0xab: {  	[dreg:$0x4] =	wrdreg $0xC0  }
0xac: {  	_ =	task [dreg:s8], $0x5FFFF  }
0xad: {  	[dreg:$0x1] =	wrdreg $0xFFFFFFFF  }
0xae: {  	[dreg:$0x0] =	wrdreg $0x60  }
0xaf: {  	[dreg:$0x2] =	wrdreg s2  }
0xb0: {  	[dreg:$0x3] =	wrdreg s19  }
0xb1: {  	[dreg:$0x4] =	wrdreg $0x9  }
0xb2: {  	_ =	task.clear_ibuf [dreg:s8], $0x5FFFF;
	_ =	strace $0x90000046  }
0xb3: {  	s29 =	simm.s32 $0x9;
	_ =	strace $0x80000048  }
0xb4: {  	_ =	swait.ge [sflag:s29], $0x1  }
0xb5: {  	[sflag:s29] =	ssyncadd.s32 $0xFFFFFFFF  }
0xb6: {  	_ =	strace $0x90000048  }
0xb7: {  	_ =	sfence  }
0xb8: {  	s30 =	sld [smem:$0x0];
	_ =	sdelay $0x2  }
0xb9: {  	s31 =	sshll.u32 s1, $0xD;
	s1 =	sshrl.u32 s1, $0x2  }
0xba: {  	s3 =	sand.u32 $0x4000, s31;
	s1 =	sadd.s32 s1, s30  }
0xbb: {  	s0 =	sor.u32 s3, s0;
	s1 =	sshll.u32 s1, $0x11  }
0xbc: {  	s0 =	sor.u32 s1, s0  }
0xbd: {  	s0 =	sadd.s32 $0x8F2B, s0  }
0xbe: {  	[sflag:s0] =	ssyncadd.remote.s32 $0x1  }
0xbf: {  	_ =	sfence.sel $0xFFFF  }
0xc0: {  	[dreg:$0x0] =	wrdreg $0xFFFFFFFF;
	(pc) =	sbr.abs _section_cstart, $3  }
0xc1: {  	[dreg:$0x1] =	wrdreg $0xFFFFFFFF  }
0xc2: {  	_ =	task.clear_ibuf [dreg:s8], $0x2FFFF;
	_ =	strace $0x9FFFFFFF  }
0xc3: {  	(tm) =	ssettm $0x7FFFFFFF  }
tec
execute0_lowered:
.L_overlay_start_1:
0x0: {  	(tag) =	ssettag $0x1  }
0x1: {  	s3 =	rddreg [dreg:$0x0]  }
0x2: {  	s5 =	rddreg [dreg:$0x1]  }
0x3: {  	s2 =	srdreg.scid;
	s0 =	rddreg [dreg:$0x2]  }
0x4: {  	s1 =	stileid.u32;
	s10 =	simm.s32 $0x4000;
	s11 =	simm.s32 $0x1  }
0x5: {  	s12 =	simm.s32 $0x8000;
	s13 =	simm.s32 $0x2;
	s14 =	simm.s32 $0x4  }
0x6: {  	s15 =	simm.s32 $0xC000;
	s16 =	simm.s32 $0x3;
	s17 =	simm.s32 $0x0  }
0x7: {  	s4 =	sand.u32 $0x1, s2;
	s2 =	simm.s32 $0x0;
	s6 =	sshll.u32 s1, $0x11  }
.Ltmp0:
0x8: {  	s7 =	sshll.u32 s4, $0x10;
	s4 =	ssub.s32 $0x2, s4;
	(pc) =	sbr.rel .LBB2_1-.Ltmp0, $4  }
0x9: {  	[smem:$0x7FF] =	sst s2;
	s6 =	sor.u32 s7, s6;
	s31 =	sshrl.u32 s4, $0x1  }
0xa: {  	_ =	strace $0x80000047;
	s3 =	sadd.s32 s3, s6;
	s8 =	ssub.s32 s4, s31  }
0xb: {  	s5 =	sadd.s32 s5, s6;
	s4 =	sadd.s32 $0x800, s3;
	s6 =	sadd.s32 $0x1000, s3  }
0xc: {  	s7 =	sadd.s32 $0x1800, s3;
	s8 =	smax.u32 s8, $0x1;
	s9 =	sadd.s32 $0x800, s5  }
.LBB2_12:
0xd: {  	s17 =	sadd.s32 $0x1, s17  }
0xe: {  	_ =	swait.ge [sflag:s16], $0x4000;
	p0 =	sne.s32 s17, s8  }
.Ltmp1:
0xf: {  	[sflag:s16] =	ssyncset.done $0x0;
	(pc) =	sbr.rel @!p0 .LBB2_13-.Ltmp1, $4  }
0x10: {  	[sflag:s16] =	ssyncadd.s32 $0xFFFFC000  }
0x11: {  	_ =	swait.ge [sflag:s14], $0x4000  }
0x12: {  	[sflag:s14] =	ssyncset.done $0x0  }
0x13: {  	[sflag:s14] =	ssyncadd.s32 $0xFFFFC000  }
.LBB2_1:
0x14: {  	[tilespmem:s2], [sflag:$0x1] =	stream.linear.gather [hbm4b:s3+s2], $0x4000, $0x38;
	[tilespmem:$0x10000] =	vst v63  }
0x15: {  	s18 =	simm.s32 $0x0  }
0x16: {  	[tilespmem:s10], [sflag:$0x2] =	stream.linear.gather [hbm4b:s4+s2], $0x4000, $0x38;
	[tilespmem:$0x10000] =	vst v63  }
.LBB2_2:
0x17: {  	_ =	swait.ge [sflag:s11], $0x4000  }
0x18: {  	p0 =	seq.s32 s18, $0x0;
	[sflag:s11] =	ssyncset.done $0x0  }
0x19: {  	s19 =	simm.s32 @!p0 $0x3;
	[sflag:s11] =	ssyncadd.s32 $0xFFFFC000  }
0x1a: {  	_ =	swait.ge @!p0 [sflag:s19], $0x4000  }
0x1b: {  	[sflag:s19] =	ssyncset.done @!p0 $0x0  }
0x1c: {  	s22 =	simm.s32 $0x0;
	[sflag:s19] =	ssyncadd.s32 @!p0 $0xFFFFC000  }
0x1d: {  	v0 =	vld [tilespmem:s22+$0x70]  }
0x1e: {  	v2 =	vld [tilespmem:s22+$0x30]  }
0x1f: {  	v8 =	vld [tilespmem:s22+$0x10]  }
0x20: {  	v9 =	vld [tilespmem:s22+$0x0]  }
0x21: {  	v10 =	vld [tilespmem:s22+$0x20]  }
0x22: {  	v14 =	vld [tilespmem:s22+$0x60]  }
0x23: {  	v13 =	vld [tilespmem:s22+$0x50]  }
0x24: {  	v15 =	vld [tilespmem:s22+$0x40];
	_ =	sdelay $0x2  }
0x25: {  	v1 =	vmax.f32 v9, v8  }
0x26: {  	v3 =	vmin.f32 v10, v2;
	v4 =	vmax.f32 v10, v2;
	v5 =	vmin.f32 v14, v0  }
0x27: {  	v18 =	vld [tilespmem:s22+$0xB0];
	v6 =	vmax.f32 v14, v0;
	v7 =	vmin.f32 v9, v8;
	v11 =	vmin.f32 v15, v13  }
0x28: {  	v12 =	vld [tilespmem:s22+$0xF0];
	v3 =	vmin.f32 v7, v3;
	v7 =	vmax.f32 v15, v13;
	v11 =	vmin.f32 v11, v5  }
0x29: {  	v22 =	vld [tilespmem:s22+$0xD0];
	v1 =	vmax.f32 v1, v4;
	v3 =	vmin.f32 v3, v11;
	v4 =	vmax.f32 v7, v6  }
0x2a: {  	s20 =	simm.s32 $0x100;
	v27 =	vld [tilespmem:s22+$0x80];
	(xrf0) =	vmin.scan.msk.f32 $0xffff, v3;
	v1 =	vmax.f32 v1, v4  }
0x2b: {  	v29 =	vld [tilespmem:s20+$0x30];
	(xrf0) =	vmax.scan.msk.f32 $0xffff, v1  }
0x2c: {  	v5 =	vld [tilespmem:s22+$0xA0]  }
0x2d: {  	v11 =	vld [tilespmem:s22+$0xE0]  }
0x2e: {  	v7 =	vld [tilespmem:s22+$0xC0]  }
0x2f: {  	v4 =	vld [tilespmem:s22+$0x90]  }
0x30: {  	v25 =	vld [tilespmem:s20+$0x20];
	v16, _, _ =	vpop (xrf0)  }
0x31: {  	v28 =	vld [tilespmem:s20+$0x60];
	v1, _, _ =	vpop (xrf0)  }
0x32: {  	v31 =	vld [tilespmem:s20+$0x50];
	v17 =	vmin.f32 v5, v18;
	v3 =	vmin.f32 v11, v12;
	v1 =	vsub.f32 v1, v16  }
0x33: {  	v32 =	vld [tilespmem:s20+$0x40];
	v6 =	vmax.f32 v11, v12;
	v20 =	vmin.f32 v7, v22;
	v21 =	vmax.f32 v7, v22  }
0x34: {  	v23 =	vmin.f32 v27, v4;
	v6 =	vmax.f32 v21, v6;
	v21 =	vld [tilespmem:s20+$0x70];
	v1 =	vmax.f32 v1, $1.000000000e-30  }
0x35: {  	v3 =	vmin.f32 v20, v3;
	v17 =	vmin.f32 v23, v17;
	v23 =	vld [tilespmem:s20+$0x0];
	v24 =	vbroadcast v1, $0xF  }
0x36: {  	v19 =	vmax.f32 v5, v18;
	v20 =	vmax.f32 v27, v4;
	v3 =	vmin.f32 v17, v3;
	v17 =	vld [tilespmem:s20+$0x10]  }
0x37: {  	v19 =	vmax.f32 v20, v19;
	(erf) = vrcp.f32 v24  }
0x38: {  	v6 =	vmax.f32 v19, v6;
	v20 =	vbroadcast v16, $0xF;
	(xrf0) =	vmin.scan.msk.f32 $0xffff, v3;
	v3 =	vld [tilespmem:s20+$0xE0]  }
0x39: {  	v39 =	vmin.f32 v25, v29;
	v42 =	vmin.f32 v32, v31;
	v58 =	vmax.f32 v25, v29;
	(xrf0) =	vmax.scan.msk.f32 $0xffff, v6;
	v6 =	vld [tilespmem:s20+$0xF0]  }
0x3a: {  	v45 =	vmax.f32 v32, v31;
	v19 =	vsub.f32 v9, v20;
	v34 =	vsub.f32 v13, v20;
	v13 =	vld [tilespmem:s20+$0xD0]  }
0x3b: {  	v33 =	vsub.f32 v8, v20;
	v8 =	vld [tilespmem:s20+$0xC0];
	v40 =	vmin.f32 v28, v21;
	v41 =	vmin.f32 v23, v17  }
0x3c: {  	v10 =	vsub.f32 v10, v20;
	v40 =	vmin.f32 v42, v40;
	v39 =	vmin.f32 v41, v39  }
0x3d: {  	v15 =	vsub.f32 v15, v20;
	v2 =	vsub.f32 v2, v20;
	v39 =	vmin.f32 v39, v40  }
0x3e: {  	v0 =	vsub.f32 v0, v20;
	v14 =	vsub.f32 v14, v20;
	v44 =	vmax.f32 v28, v21;
	(xrf0) =	vmin.scan.msk.f32 $0xffff, v39  }
0x3f: {  	v60 =	vmax.f32 v45, v44;
	v43 =	vmax.f32 v23, v17;
	v50 =	vmul.f32 $1.428571490e-01, v24;
	v30, _, _ =	vpop (xrf0)  }
0x40: {  	v37 =	vmin.f32 v3, v6;
	v38 =	vmax.f32 v3, v6;
	v59 =	vmin.f32 v8, v13;
	v26 =	vpop (erf)  }
0x41: {  	v40 =	vmax.f32 v43, v58;
	v61 =	vmax.f32 v8, v13;
	v16, _, _ =	vpop (xrf0);
	v26 =	vmul.f32 $7.000000000e+00, v26  }
0x42: {  	v40 =	vmax.f32 v40, v60;
	v37 =	vmin.f32 v59, v37;
	v16 =	vsub.f32 v16, v30  }
0x43: {  	v38 =	vmax.f32 v61, v38;
	v36 =	vmul.f32 v26, v19;
	v33 =	vmul.f32 v26, v33  }
0x44: {  	v9 =	vld [tilespmem:s20+$0xB0];
	v35 =	vmax.f32 v16, $1.000000000e-30;
	v47, _, _ =	vpop (xrf0);
	v46 =	vmul.f32 v26, v10;
	v15 =	vmul.f32 v26, v15  }
0x45: {  	v1 =	vld [tilespmem:s20+$0xA0];
	v2 =	vmul.f32 v26, v2;
	v10 =	vbroadcast v47, $0xF;
	v36 =	vadd.f32 $8.388608000e+06, v36  }
0x46: {  	v0 =	vmul.f32 v26, v0;
	v33 =	vadd.f32 $8.388608000e+06, v33;
	v15 =	vadd.f32 $8.388608000e+06, v15  }
0x47: {  	(xrf0) =	vmax.scan.msk.f32 $0xffff, v40;
	v16 =	vld [tilespmem:s20+$0x90];
	v34 =	vmul.f32 v26, v34;
	v40 =	vsub.f32 v17, v10;
	v48 =	vsub.f32 v25, v10  }
0x48: {  	v19 =	vld [tilespmem:s20+$0x80];
	v14 =	vmul.f32 v26, v14;
	v26 =	vsub.f32 v32, v10;
	v2 =	vadd.f32 $8.388608000e+06, v2  }
0x49: {  	v35 =	vbroadcast v35, $0xF;
	v49 =	vadd.f32 $8.388608000e+06, v0;
	v24 =	vsub.f32 v31, v10  }
0x4a: {  	v57 =	vmax.f32 v1, v9;
	v54 =	vsub.f32 v29, v10;
	v29 =	vsub.f32 v21, v10  }
0x4b: {  	(erf) = vrcp.f32 v35;
	v36 =	vadd.f32 $-8.388608000e+06, v36;
	v0 =	vadd.f32 $-8.388608000e+06, v2  }
0x4c: {  	v21 =	vbroadcast v30, $0xF;
	v2 =	vadd.f32 $8.388608000e+06, v14;
	v14 =	vadd.f32 $-8.388608000e+06, v15  }
0x4d: {  	v15 =	vadd.f32 $8.388608000e+06, v34;
	v30 =	vadd.f32 $-8.388608000e+06, v33;
	v63 =	vmax.f32 v19, v16  }
0x4e: {  	v27 =	vsub.f32 v27, v21;
	v58 =	vsub.f32 v7, v21;
	v39 =	vmax.f32 v63, v57  }
0x4f: {  	v7 =	vadd.f32 $-8.388608000e+06, v49;
	v38 =	vmax.f32 v39, v38;
	v39 =	vsub.f32 v23, v10;
	v23, _, _ =	vpop (xrf0)  }
0x50: {  	v56 =	vmin.f32 v1, v9;
	v59 =	vsub.f32 v4, v21;
	v23 =	vsub.f32 v23, v47  }
0x51: {  	s21 =	simm.s32 $0x200;
	v35 =	vmul.f32 $1.428571490e-01, v35;
	v60 =	vsub.f32 v5, v21;
	v22 =	vsub.f32 v22, v21  }
0x52: {  	v4 =	vld [tilespmem:s21+$0xF0];
	v18 =	vsub.f32 v18, v21;
	v62 =	vmin.f32 v19, v16;
	v23 =	vmax.f32 v23, $1.000000000e-30  }
0x53: {  	v5 =	vld [tilespmem:s21+$0xE0];
	v41 =	vmin.f32 v62, v56;
	v51 =	vmul.f32 v36, v50;
	v23 =	vbroadcast v23, $0xF  }
0x54: {  	v33 =	vld [tilespmem:s21+$0x10];
	v52 =	vmul.f32 v0, v50;
	v53 =	vadd.f32 $-8.388608000e+06, v2;
	v55 =	vmul.f32 v14, v50;
	v57 =	vpop (erf)  }
0x55: {  	v0 =	vld [tilespmem:s21+$0xA0];
	v15 =	vadd.f32 $-8.388608000e+06, v15;
	v44 =	vmul.f32 $7.000000000e+00, v57;
	(erf) = vrcp.f32 v23  }
0x56: {  	v2 =	vld [tilespmem:s21+$0xB0];
	v30 =	vmul.f32 v30, v50;
	v61 =	vmul.f32 v7, v50;
	v37 =	vmin.f32 v41, v37  }
0x57: {  	v14 =	vld [tilespmem:s21+$0x70];
	(xrf0) =	vmin.scan.msk.f32 $0xffff, v37;
	v56 =	vmul.f32 v15, v50;
	[tilespmem:s22+$0x8000] =	vst v51;
	v27 =	vmul.f32 v44, v27  }
0x58: {  	v37 =	vadd.f32 $8.388608000e+06, v46;
	v15 =	vld [tilespmem:s21+$0x30];
	[tilespmem:s22+$0x8010] =	vst v30;
	v32 =	vmul.f32 v44, v59;
	v34 =	vmul.f32 v44, v60  }
0x59: {  	v30 =	vsub.f32 v28, v10;
	v28 =	vld [tilespmem:s21+$0x0];
	[tilespmem:s22+$0x8070] =	vst v61;
	v63 =	vmul.f32 v44, v58;
	v45 =	vmul.f32 v44, v22  }
0x5a: {  	v47 =	vld [tilespmem:s21+$0x20];
	[tilespmem:s22+$0x8040] =	vst v55;
	v57 =	vmul.f32 v44, v18;
	v43 =	vmin.f32 v5, v4;
	v31 =	vadd.f32 $-8.388608000e+06, v37  }
0x5b: {  	v7 =	vld [tilespmem:s21+$0xD0];
	[tilespmem:s22+$0x8030] =	vst v52;
	v37 =	vmul.f32 v53, v50;
	v58 =	vadd.f32 $8.388608000e+06, v27;
	v51 =	vmin.f32 v0, v2  }
0x5c: {  	(xrf0) =	vmax.scan.msk.f32 $0xffff, v38;
	v22 =	vld [tilespmem:s21+$0x60];
	v34 =	vadd.f32 $8.388608000e+06, v34;
	v41 =	vadd.f32 $8.388608000e+06, v63;
	v31 =	vmul.f32 v31, v50  }
0x5d: {  	v18 =	vld [tilespmem:s21+$0xC0];
	v52 =	vmax.f32 v0, v2;
	v32 =	vadd.f32 $8.388608000e+06, v32;
	v45 =	vadd.f32 $8.388608000e+06, v45;
	[tilespmem:s22+$0x8060] =	vst v37  }
0x5e: {  	v37 =	vsub.f32 v11, v21;
	v50 =	vmax.f32 v28, v33;
	[tilespmem:s22+$0x8020] =	vst v31;
	v31 =	vsub.f32 v12, v21;
	v62 =	vpop (erf)  }
0x5f: {  	[tilespmem:s22+$0x8070] =	vst.add.f32.msk $0xffff, v20;
	v53 =	vmin.f32 v47, v15;
	v42 =	vadd.f32 $-8.388608000e+06, v58;
	v46 =	vmul.f32 $7.000000000e+00, v62  }
0x60: {  	[tilespmem:s22+$0x8010] =	vst.add.f32.msk $0xffff, v20;
	v58 =	vmin.f32 v28, v33;
	v41 =	vadd.f32 $-8.388608000e+06, v41;
	v31 =	vmul.f32 v44, v31  }
0x61: {  	v55 =	vld [tilespmem:s21+$0x40];
	[tilespmem:s22+$0x8050] =	vst v56;
	v32 =	vadd.f32 $-8.388608000e+06, v32;
	v56 =	vmin.f32 v22, v14;
	v12 =	vmul.f32 v46, v39  }
0x62: {  	[tilespmem:s22+$0x8000] =	vst.add.f32.msk $0xffff, v20;
	v17, _, _ =	vpop (xrf0);
	v59 =	vmin.f32 v18, v7;
	v60 =	vmax.f32 v18, v7;
	v31 =	vadd.f32 $8.388608000e+06, v31  }
0x63: {  	[tilespmem:s22+$0x8040] =	vst.add.f32.msk $0xffff, v20;
	v37 =	vmul.f32 v44, v37;
	v25, _, _ =	vpop (xrf0);
	v43 =	vmin.f32 v59, v43;
	v49 =	vadd.f32 $8.388608000e+06, v12  }
0x64: {  	[tilespmem:s22+$0x8030] =	vst.add.f32.msk $0xffff, v20;
	v42 =	vmul.f32 v42, v35;
	v25 =	vsub.f32 v25, v17;
	v31 =	vadd.f32 $-8.388608000e+06, v31  }
0x65: {  	v32 =	vmul.f32 v32, v35;
	v44 =	vmin.f32 v58, v53;
	v27 =	vadd.f32 $-8.388608000e+06, v49;
	v49 =	vld [tilespmem:s21+$0x50]  }
0x66: {  	v11 =	vld [tilespmem:s21+$0x90];
	v37 =	vadd.f32 $8.388608000e+06, v37;
	v25 =	vmax.f32 v25, $1.000000000e-30;
	v31 =	vmul.f32 v31, v35  }
0x67: {  	v62 =	vadd.f32 $-8.388608000e+06, v45;
	v40 =	vmul.f32 v46, v40;
	v38 =	vmul.f32 v46, v48;
	v12 =	vld [tilespmem:s21+$0x80]  }
0x68: {  	[tilespmem:s22+$0x8050] =	vst.add.f32.msk $0xffff, v20;
	v48 =	vmax.f32 v5, v4;
	v36 =	vmul.f32 v46, v54;
	v39 =	vadd.f32 $8.388608000e+06, v57  }
0x69: {  	[tilespmem:s22+$0x8060] =	vst.add.f32.msk $0xffff, v20;
	v54 =	vmax.f32 v47, v15;
	v57 =	vmax.f32 v22, v14;
	v26 =	vmul.f32 v46, v26  }
0x6a: {  	[tilespmem:s22+$0x8020] =	vst.add.f32.msk $0xffff, v20;
	v50 =	vmax.f32 v50, v54;
	v48 =	vmax.f32 v60, v48;
	v59 =	vmin.f32 v55, v49  }
0x6b: {  	[tilespmem:s22+$0x8090] =	vst v32;
	v39 =	vadd.f32 $-8.388608000e+06, v39;
	v61 =	vmax.f32 v55, v49;
	v56 =	vmin.f32 v59, v56  }
0x6c: {  	[tilespmem:s22+$0x8080] =	vst v42;
	v53 =	vmin.f32 v12, v11;
	v59 =	vmax.f32 v61, v57;
	v44 =	vmin.f32 v44, v56  }
0x6d: {  	v58 =	vmax.f32 v12, v11;
	v61 =	vmin.f32 v53, v51;
	v63 =	vmax.f32 v50, v59;
	(xrf0) =	vmin.scan.msk.f32 $0xffff, v44  }
0x6e: {  	v20 =	vmul.f32 v39, v35;
	v52 =	vmax.f32 v58, v52;
	v53 =	vmin.f32 v61, v43;
	(xrf0) =	vmax.scan.msk.f32 $0xffff, v63  }
0x6f: {  	v60 =	vadd.f32 $8.388608000e+06, v38;
	v38 =	vbroadcast v25, $0xF;
	v54 =	vmax.f32 v52, v48;
	(xrf0) =	vmin.scan.msk.f32 $0xffff, v53  }
0x70: {  	v32 =	vmul.f32 v46, v24;
	[tilespmem:s22+$0x80B0] =	vst v20;
	v20 =	vadd.f32 $-8.388608000e+06, v37;
	(xrf0) =	vmax.scan.msk.f32 $0xffff, v54  }
0x71: {  	[tilespmem:s22+$0x8090] =	vst.add.f32.msk $0xffff, v21;
	v36 =	vadd.f32 $8.388608000e+06, v36;
	v39 =	vadd.f32 $8.388608000e+06, v40;
	(erf) = vrcp.f32 v38  }
0x72: {  	[tilespmem:s22+$0x80F0] =	vst v31;
	v58 =	vmul.f32 v41, v35;
	v57 =	vmul.f32 v20, v35;
	v20 =	vadd.f32 $-8.388608000e+06, v34  }
0x73: {  	v36 =	vadd.f32 $-8.388608000e+06, v36;
	[tilespmem:s22+$0x80B0] =	vst.add.f32.msk $0xffff, v21;
	v41 =	vadd.f32 $8.388608000e+06, v26;
	v26 =	vmul.f32 v46, v29;
	v59, _, _ =	vpop (xrf0)  }
0x74: {  	[tilespmem:s22+$0x80C0] =	vst v58;
	v34 =	vadd.f32 $-8.388608000e+06, v60;
	v40 =	vmul.f32 v20, v35;
	v20 =	vbroadcast v59, $0xF;
	v24, _, _ =	vpop (xrf0)  }
0x75: {  	v56 =	vmul.f32 v62, v35;
	[tilespmem:s22+$0x80C0] =	vst.add.f32.msk $0xffff, v21;
	v35 =	vadd.f32 $8.388608000e+06, v26;
	v25 =	vsub.f32 v24, v59;
	v31, _, _ =	vpop (xrf0)  }
0x76: {  	v61 =	vmul.f32 v46, v30;
	[tilespmem:s22+$0x80E0] =	vst v57;
	v29 =	vsub.f32 v28, v20;
	v28 =	vsub.f32 v33, v20;
	v62, _, _ =	vpop (xrf0)  }
0x77: {  	[tilespmem:s22+$0x80D0] =	vst v56;
	v33 =	vmul.f32 $1.428571490e-01, v23;
	v23 =	vmax.f32 v25, $1.000000000e-30;
	v63 =	vsub.f32 v62, v31  }
0x78: {  	[tilespmem:s22+$0x80E0] =	vst.add.f32.msk $0xffff, v21;
	v37 =	vadd.f32 $8.388608000e+06, v61;
	v30 =	vsub.f32 v47, v20;
	v23 =	vbroadcast v23, $0xF  }
0x79: {  	s23 =	simm.s32 $0x4;
	s24 =	simm.s32 $0xC00;
	s19 =	sshll.u32 s18, $0xC;
	[tilespmem:s22+$0x80D0] =	vst.add.f32.msk $0xffff, v21;
	v24 =	vsub.f32 v55, v20;
	v25 =	vsub.f32 v49, v20;
	v26 =	vmax.f32 v63, $1.000000000e-30  }
.LBB2_3:
0x7a: {  	s25 =	sshra.s32 s24, $0x2;
	s23 =	sadd.s32 $0x2, s23;
	(erf) = vrcp.f32 v23;
	v41 =	vadd.f32 $-8.388608000e+06, v41;
	v32 =	vadd.f32 $8.388608000e+06, v32;
	[tilespmem:s22+$0x80F0] =	vst.add.f32.msk $0xffff, v21  }
0x7b: {  	v27 =	vmul.f32 v27, v33;
	p1 =	slt.u32 s23, $0x7E;
	v42 =	vmul.f32 v36, v33;
	v36 =	vadd.f32 $-8.388608000e+06, v37;
	[tilespmem:s22+$0x8080] =	vst.add.f32.msk $0xffff, v21  }
0x7c: {  	v43 =	vsub.f32 v15, v20;
	v37 =	vld [tilespmem:s25+$0xA0];
	v41 =	vmul.f32 v41, v33;
	v15 =	vadd.f32 $-8.388608000e+06, v32  }
0x7d: {  	v45 =	vbroadcast v17, $0xF;
	v17 =	vmovc v31;
	v32 =	vsub.f32 v14, v20;
	v44 =	vld [tilespmem:s25+$0xB0];
	v36 =	vmul.f32 v36, v33;
	[tilespmem:s22+$0x80A0] =	vst v40  }
0x7e: {  	v31 =	vmul.f32 $1.428571490e-01, v38;
	v14 =	vld [tilespmem:s25+$0x70];
	[tilespmem:s20+$0x8000] =	vst v27;
	v27 =	vadd.f32 $-8.388608000e+06, v39;
	v39 =	vmul.f32 v15, v33;
	v38 =	vpop (erf)  }
0x7f: {  	v19 =	vsub.f32 v19, v45;
	v40 =	vsub.f32 v8, v45;
	v8 =	vmovc v18;
	v15 =	vld [tilespmem:s25+$0x30];
	[tilespmem:s20+$0x8060] =	vst v36;
	v38 =	vmul.f32 $7.000000000e+00, v38  }
0x80: {  	v16 =	vsub.f32 v16, v45;
	v18 =	vmul.f32 v27, v33;
	v27 =	vadd.f32 $-8.388608000e+06, v35;
	[tilespmem:s22+$0x80A0] =	vst.add.f32.msk $0xffff, v21;
	v21 =	vmovc v45;
	s22 =	smov.u32 s20;
	s20 =	smov.u32 s21;
	s21 =	smov.u32 s25  }
0x81: {  	v34 =	vmul.f32 v34, v33;
	v45 =	vld [tilespmem:s21+$0xF0];
	[tilespmem:s22+$0x8050] =	vst v39;
	v19 =	vmul.f32 v38, v19;
	v36 =	vsub.f32 v1, v21  }
0x82: {  	v46 =	vmul.f32 v38, v16;
	v16 =	vsub.f32 v9, v21;
	v39 =	vld [tilespmem:s21+$0xE0];
	[tilespmem:s22+$0x8010] =	vst v18;
	v18 =	vmul.f32 v27, v33  }
0x83: {  	v13 =	vsub.f32 v13, v21;
	v1 =	vmov v0;
	v33 =	vsub.f32 v22, v20;
	v27 =	vld [tilespmem:s21+$0xD0];
	v9 =	vpop (erf);
	[tilespmem:s22+$0x8020] =	vst v34  }
0x84: {  	v48 =	vsub.f32 v6, v21;
	v0 =	vmovc v37;
	v47 =	vmul.f32 v38, v36;
	v35 =	vld [tilespmem:s21+$0x10];
	v34 =	vmul.f32 $7.000000000e+00, v9;
	[tilespmem:s22+$0x8070] =	vst v18  }
0x85: {  	v40 =	vmul.f32 v38, v40;
	v9 =	vmovc v2;
	v2 =	vmov v44;
	v36 =	vld [tilespmem:s21+$0x0];
	[tilespmem:s22+$0x8040] =	vst v41;
	v41 =	vmul.f32 v38, v13  }
0x86: {  	v51 =	vmul.f32 v38, v16;
	v37 =	vld [tilespmem:s21+$0x20];
	v18 =	vmul.f32 v34, v29;
	[tilespmem:s22+$0x8030] =	vst v42;
	v29 =	vsub.f32 v3, v21  }
0x87: {  	v6 =	vmovc v4;
	v28 =	vmul.f32 v34, v28;
	v30 =	vmul.f32 v34, v30;
	v4 =	vmovc v45;
	v3 =	vmov v5;
	v42 =	vld [tilespmem:s21+$0x90]  }
0x88: {  	v13 =	vmovc v7;
	v44 =	vmin.f32 v39, v4;
	v45 =	vmax.f32 v39, v4;
	v5 =	vmovc v39;
	v22 =	vld [tilespmem:s21+$0x60];
	v49 =	vadd.f32 $8.388608000e+06, v18  }
0x89: {  	v50 =	vadd.f32 $8.388608000e+06, v51;
	v16 =	vmovc v11;
	v43 =	vmul.f32 v34, v43;
	v39 =	vadd.f32 $8.388608000e+06, v19;
	v7 =	vmovc v27;
	v18 =	vld [tilespmem:s21+$0xC0]  }
0x8a: {  	v52 =	vmin.f32 v0, v2;
	v53 =	vmax.f32 v0, v2;
	v51 =	vmax.f32 v36, v35;
	[tilespmem:s22+$0x8070] =	vst.add.f32.msk $0xffff, v10  }
0x8b: {  	v19 =	vmovc v12;
	v27 =	vadd.f32 $-8.388608000e+06, v49;
	v54 =	vmin.f32 v37, v15;
	v55 =	vmax.f32 v37, v15;
	v12 =	vld [tilespmem:s21+$0x80]  }
0x8c: {  	v48 =	vmul.f32 v38, v48;
	v47 =	vadd.f32 $8.388608000e+06, v47;
	v39 =	vadd.f32 $-8.388608000e+06, v39;
	v49 =	vld [tilespmem:s21+$0x50];
	v11 =	vmovc v42  }
0x8d: {  	v40 =	vadd.f32 $8.388608000e+06, v40;
	v42 =	vld [tilespmem:s21+$0x40];
	v56 =	vmin.f32 v22, v14;
	v57 =	vmax.f32 v22, v14  }
0x8e: {  	v48 =	vadd.f32 $8.388608000e+06, v48;
	v50 =	vadd.f32 $-8.388608000e+06, v50;
	v58 =	vmin.f32 v36, v35;
	[tilespmem:s22+$0x8050] =	vst.add.f32.msk $0xffff, v10  }
0x8f: {  	v29 =	vmul.f32 v38, v29;
	v59 =	vmin.f32 v18, v7;
	v60 =	vmax.f32 v18, v7;
	[tilespmem:s22+$0x8010] =	vst.add.f32.msk $0xffff, v10  }
0x90: {  	v46 =	vadd.f32 $8.388608000e+06, v46;
	v38 =	vmin.f32 v58, v54;
	v54 =	vmin.f32 v12, v11;
	[tilespmem:s22+$0x8020] =	vst.add.f32.msk $0xffff, v10  }
0x91: {  	v29 =	vadd.f32 $8.388608000e+06, v29;
	v44 =	vmin.f32 v59, v44;
	v58 =	vmax.f32 v12, v11;
	[tilespmem:s22+$0x8000] =	vst.add.f32.msk $0xffff, v10  }
0x92: {  	v41 =	vadd.f32 $8.388608000e+06, v41;
	v59 =	vmin.f32 v42, v49;
	v61 =	vmax.f32 v42, v49;
	[tilespmem:s22+$0x8060] =	vst.add.f32.msk $0xffff, v10  }
0x93: {  	v40 =	vadd.f32 $-8.388608000e+06, v40;
	v51 =	vmax.f32 v51, v55;
	v56 =	vmin.f32 v59, v56;
	[tilespmem:s22+$0x8040] =	vst.add.f32.msk $0xffff, v10  }
0x94: {  	v50 =	vmul.f32 v50, v31;
	v55 =	vmax.f32 v61, v57;
	v38 =	vmin.f32 v38, v56;
	[tilespmem:s22+$0x8030] =	vst.add.f32.msk $0xffff, v10  }
0x95: {  	v45 =	vmax.f32 v60, v45;
	v52 =	vmin.f32 v54, v52;
	v10 =	vmovc v20;
	(xrf0) =	vmin.scan.msk.f32 $0xffff, v38;
	v38 =	vadd.f32 $-8.388608000e+06, v41  }
0x96: {  	v29 =	vadd.f32 $-8.388608000e+06, v29;
	v20 =	vmax.f32 v51, v55;
	v41 =	vmax.f32 v58, v53;
	[tilespmem:s22+$0x80B0] =	vst v50  }
0x97: {  	v44 =	vmin.f32 v52, v44;
	v41 =	vmax.f32 v41, v45;
	[tilespmem:s22+$0x80B0] =	vst.add.f32.msk $0xffff, v21;
	v38 =	vmul.f32 v38, v31  }
0x98: {  	v45 =	vmul.f32 v39, v31;
	(xrf0) =	vmax.scan.msk.f32 $0xffff, v20;
	v20 =	vadd.f32 $-8.388608000e+06, v46;
	v46 =	vmul.f32 v29, v31  }
0x99: {  	v29 =	vadd.f32 $-8.388608000e+06, v47;
	v47 =	vadd.f32 $-8.388608000e+06, v48;
	(xrf0) =	vmin.scan.msk.f32 $0xffff, v44;
	v44 =	vmul.f32 v40, v31  }
0x9a: {  	v24 =	vmul.f32 v34, v24;
	(xrf0) =	vmax.scan.msk.f32 $0xffff, v41;
	v48 =	vmul.f32 v20, v31;
	[tilespmem:s22+$0x80D0] =	vst v38  }
0x9b: {  	v39 =	vadd.f32 $8.388608000e+06, v28;
	v40 =	vmul.f32 v29, v31;
	v28 =	vmul.f32 v47, v31;
	v50, _, _ =	vpop (xrf0);
	[tilespmem:s22+$0x80C0] =	vst v44  }
0x9c: {  	v41 =	vadd.f32 $8.388608000e+06, v24;
	v44 =	vmul.f32 v34, v32;
	v20 =	vbroadcast v50, $0xF;
	[tilespmem:s22+$0x8090] =	vst v48  }
0x9d: {  	v47 =	vadd.f32 $8.388608000e+06, v30;
	v38 =	vbroadcast v26, $0xF;
	v32 =	vmul.f32 v34, v25;
	[tilespmem:s22+$0x80F0] =	vst v28  }
0x9e: {  	v48 =	vmul.f32 v34, v33;
	v29 =	vsub.f32 v36, v20;
	v28 =	vsub.f32 v35, v20;
	v24, _, _ =	vpop (xrf0);
	[tilespmem:s22+$0x80E0] =	vst v46  }
.Ltmp2:
0x9f: {  	v30 =	vsub.f32 v37, v20;
	v25 =	vsub.f32 v24, v50;
	v31, _, _ =	vpop (xrf0);
	(erf) = vrcp.f32 v38;
	[tilespmem:s22+$0x80E0] =	vst.add.f32.msk $0xffff, v21;
	(pc) =	sbr.rel @p1 .LBB2_3-.Ltmp2, $4  }
0xa0: {  	v33 =	vmul.f32 $1.428571490e-01, v23;
	v36 =	vadd.f32 $8.388608000e+06, v43;
	v24 =	vsub.f32 v42, v20;
	v26, _, _ =	vpop (xrf0);
	[tilespmem:s22+$0x8080] =	vst v45  }
0xa1: {  	v35 =	vadd.f32 $8.388608000e+06, v44;
	v23 =	vmax.f32 v25, $1.000000000e-30;
	v26 =	vsub.f32 v26, v31;
	[tilespmem:s22+$0x80D0] =	vst.add.f32.msk $0xffff, v21  }
0xa2: {  	v34 =	vadd.f32 $-8.388608000e+06, v47;
	v25 =	vsub.f32 v49, v20;
	v23 =	vbroadcast v23, $0xF;
	[tilespmem:s22+$0x80C0] =	vst.add.f32.msk $0xffff, v21  }
0xa3: {  	s24 =	sadd.s32 $0x400, s24;
	v37 =	vadd.f32 $8.388608000e+06, v48;
	v36 =	vadd.f32 $-8.388608000e+06, v36;
	v26 =	vmax.f32 v26, $1.000000000e-30;
	[tilespmem:s22+$0x8090] =	vst.add.f32.msk $0xffff, v21  }
0xa4: {  	[tilespmem:s22+$0x80F0] =	vst.add.f32.msk $0xffff, v21  }
0xa5: {  	[tilespmem:s22+$0x8080] =	vst.add.f32.msk $0xffff, v21  }
0xa6: {  	v27 =	vmul.f32 v27, v33;
	[tilespmem:s22+$0x80A0] =	vst v40  }
0xa7: {  	v34 =	vmul.f32 v34, v33;
	[tilespmem:s22+$0x80A0] =	vst.add.f32.msk $0xffff, v21  }
0xa8: {  	v59 =	vmul.f32 v36, v33;
	[tilespmem:s20+$0x8000] =	vst v27  }
0xa9: {  	v56 =	vadd.f32 $-8.388608000e+06, v39;
	[tilespmem:s20+$0x8020] =	vst v34  }
0xaa: {  	v32 =	vadd.f32 $8.388608000e+06, v32;
	v35 =	vadd.f32 $-8.388608000e+06, v35;
	[tilespmem:s20+$0x8030] =	vst v59  }
0xab: {  	v57 =	vadd.f32 $-8.388608000e+06, v41;
	v17 =	vbroadcast v17, $0xF;
	v27 =	vmul.f32 v56, v33;
	[tilespmem:s20+$0x8020] =	vst.add.f32.msk $0xffff, v10  }
0xac: {  	v62 =	vmul.f32 $1.428571490e-01, v38;
	v58 =	vmul.f32 v35, v33;
	[tilespmem:s20+$0x8000] =	vst.add.f32.msk $0xffff, v10  }
0xad: {  	v37 =	vadd.f32 $-8.388608000e+06, v37;
	v32 =	vadd.f32 $-8.388608000e+06, v32;
	v21 =	vmul.f32 v57, v33;
	[tilespmem:s20+$0x8010] =	vst v27;
	v60 =	vpop (erf)  }
0xae: {  	v9 =	vsub.f32 v9, v17;
	v13 =	vsub.f32 v13, v17;
	[tilespmem:s20+$0x8070] =	vst v58;
	v61 =	vmul.f32 $7.000000000e+00, v60  }
0xaf: {  	v8 =	vsub.f32 v8, v17;
	v16 =	vsub.f32 v16, v17;
	v37 =	vmul.f32 v37, v33;
	[tilespmem:s20+$0x8040] =	vst v21  }
0xb0: {  	v6 =	vsub.f32 v6, v17;
	v3 =	vsub.f32 v3, v17;
	[tilespmem:s20+$0x8030] =	vst.add.f32.msk $0xffff, v10;
	v9 =	vmul.f32 v61, v9  }
0xb1: {  	v1 =	vsub.f32 v1, v17;
	v32 =	vmul.f32 v32, v33;
	[tilespmem:s20+$0x8060] =	vst v37;
	v13 =	vmul.f32 v61, v13  }
0xb2: {  	(erf) = vrcp.f32 v23;
	[tilespmem:s20+$0x8070] =	vst.add.f32.msk $0xffff, v10;
	v8 =	vmul.f32 v61, v8;
	v9 =	vadd.f32 $8.388608000e+06, v9  }
0xb3: {  	[tilespmem:s20+$0x8010] =	vst.add.f32.msk $0xffff, v10;
	v16 =	vmul.f32 v61, v16;
	v6 =	vmul.f32 v61, v6;
	v13 =	vadd.f32 $8.388608000e+06, v13  }
0xb4: {  	[tilespmem:s20+$0x8040] =	vst.add.f32.msk $0xffff, v10;
	v3 =	vmul.f32 v61, v3;
	v8 =	vadd.f32 $8.388608000e+06, v8;
	v9 =	vadd.f32 $-8.388608000e+06, v9  }
0xb5: {  	[tilespmem:s20+$0x8050] =	vst v32;
	v1 =	vmul.f32 v61, v1;
	v16 =	vadd.f32 $8.388608000e+06, v16;
	v13 =	vadd.f32 $-8.388608000e+06, v13  }
0xb6: {  	[tilespmem:s20+$0x8060] =	vst.add.f32.msk $0xffff, v10;
	v6 =	vadd.f32 $8.388608000e+06, v6;
	v8 =	vadd.f32 $-8.388608000e+06, v8;
	v9 =	vmul.f32 v9, v62  }
0xb7: {  	[tilespmem:s20+$0x8050] =	vst.add.f32.msk $0xffff, v10;
	v3 =	vadd.f32 $8.388608000e+06, v3;
	v16 =	vadd.f32 $-8.388608000e+06, v16;
	v63 =	vmul.f32 v13, v62  }
0xb8: {  	v1 =	vadd.f32 $8.388608000e+06, v1;
	v6 =	vadd.f32 $-8.388608000e+06, v6;
	v8 =	vmul.f32 v8, v62;
	[tilespmem:s20+$0x80B0] =	vst v9  }
0xb9: {  	v3 =	vadd.f32 $-8.388608000e+06, v3;
	v10 =	vmul.f32 v16, v62;
	[tilespmem:s20+$0x80D0] =	vst v63  }
0xba: {  	v19 =	vsub.f32 v19, v17;
	v1 =	vadd.f32 $-8.388608000e+06, v1;
	v6 =	vmul.f32 v6, v62;
	[tilespmem:s20+$0x80C0] =	vst v8  }
0xbb: {  	v3 =	vmul.f32 v3, v62;
	[tilespmem:s20+$0x8090] =	vst v10  }
0xbc: {  	v19 =	vmul.f32 v61, v19;
	v1 =	vmul.f32 v1, v62;
	[tilespmem:s20+$0x80F0] =	vst v6  }
0xbd: {  	v33 =	vpop (erf);
	[tilespmem:s20+$0x80E0] =	vst v3  }
0xbe: {  	v32 =	vadd.f32 $8.388608000e+06, v19;
	v8 =	vmul.f32 $7.000000000e+00, v33;
	[tilespmem:s20+$0x80A0] =	vst v1  }
0xbf: {  	v14 =	vsub.f32 v14, v20;
	v42 =	vbroadcast v26, $0xF;
	v36 =	vsub.f32 v22, v20;
	[tilespmem:s20+$0x80B0] =	vst.add.f32.msk $0xffff, v17  }
0xc0: {  	v43 =	vmul.f32 $1.428571490e-01, v23;
	v34 =	vadd.f32 $-8.388608000e+06, v32;
	[tilespmem:s20+$0x80E0] =	vst.add.f32.msk $0xffff, v17;
	v37 =	vmul.f32 v8, v29  }
0xc1: {  	v35 =	vsub.f32 v15, v20;
	(erf) = vrcp.f32 v42;
	[tilespmem:s20+$0x80D0] =	vst.add.f32.msk $0xffff, v17;
	v10 =	vmul.f32 v8, v36  }
0xc2: {  	v9 =	vmul.f32 v34, v62;
	[tilespmem:s20+$0x80C0] =	vst.add.f32.msk $0xffff, v17;
	v41 =	vmul.f32 v8, v25;
	v3 =	vadd.f32 $8.388608000e+06, v37  }
0xc3: {  	[tilespmem:s20+$0x8090] =	vst.add.f32.msk $0xffff, v17;
	v39 =	vmul.f32 v8, v30;
	v40 =	vmul.f32 v8, v24;
	v10 =	vadd.f32 $8.388608000e+06, v10  }
0xc4: {  	[tilespmem:s20+$0x80F0] =	vst.add.f32.msk $0xffff, v17;
	v14 =	vmul.f32 v8, v14;
	v16 =	vadd.f32 $8.388608000e+06, v41;
	v3 =	vadd.f32 $-8.388608000e+06, v3  }
0xc5: {  	[tilespmem:s20+$0x80A0] =	vst.add.f32.msk $0xffff, v17;
	v44 =	vmul.f32 v8, v35;
	v15 =	vadd.f32 $8.388608000e+06, v39;
	v10 =	vadd.f32 $-8.388608000e+06, v10  }
0xc6: {  	[tilespmem:s20+$0x8080] =	vst v9;
	v45 =	vadd.f32 $8.388608000e+06, v14;
	v16 =	vadd.f32 $-8.388608000e+06, v16;
	v3 =	vmul.f32 v3, v43  }
0xc7: {  	[tilespmem:s20+$0x8080] =	vst.add.f32.msk $0xffff, v17;
	v47 =	vadd.f32 $8.388608000e+06, v40;
	v48 =	vadd.f32 $-8.388608000e+06, v15;
	v10 =	vmul.f32 v10, v43  }
0xc8: {  	v1 =	vadd.f32 $8.388608000e+06, v44;
	v6 =	vadd.f32 $-8.388608000e+06, v45;
	v49 =	vmul.f32 v16, v43;
	[tilespmem:s21+$0x8000] =	vst v3  }
0xc9: {  	v38 =	vmul.f32 v8, v28;
	v8 =	vadd.f32 $-8.388608000e+06, v47;
	v9 =	vmul.f32 v48, v43;
	[tilespmem:s21+$0x8060] =	vst v10  }
0xca: {  	v1 =	vadd.f32 $-8.388608000e+06, v1;
	v50 =	vmul.f32 v6, v43;
	[tilespmem:s21+$0x8050] =	vst v49  }
0xcb: {  	v52 =	vbroadcast v31, $0xF;
	v51 =	vmul.f32 v8, v43;
	[tilespmem:s21+$0x8020] =	vst v9  }
0xcc: {  	v1 =	vmul.f32 v1, v43;
	[tilespmem:s21+$0x8070] =	vst v50  }
0xcd: {  	v2 =	vsub.f32 v2, v52;
	v53 =	vpop (erf);
	[tilespmem:s21+$0x8040] =	vst v51  }
0xce: {  	v55 =	vsub.f32 v7, v52;
	v13 =	vadd.f32 $8.388608000e+06, v38;
	v54 =	vmul.f32 $7.000000000e+00, v53;
	[tilespmem:s21+$0x8030] =	vst v1  }
0xcf: {  	v56 =	vmul.f32 $1.428571490e-01, v42;
	v57 =	vsub.f32 v12, v52;
	v4 =	vsub.f32 v4, v52;
	[tilespmem:s21+$0x8070] =	vst.add.f32.msk $0xffff, v20  }
0xd0: {  	v58 =	vsub.f32 v18, v52;
	v46 =	vadd.f32 $-8.388608000e+06, v13;
	v2 =	vmul.f32 v54, v2;
	[tilespmem:s21+$0x8050] =	vst.add.f32.msk $0xffff, v20  }
0xd1: {  	v5 =	vsub.f32 v5, v52;
	v0 =	vsub.f32 v0, v52;
	v1 =	vmul.f32 v54, v55;
	[tilespmem:s21+$0x8020] =	vst.add.f32.msk $0xffff, v20  }
0xd2: {  	v3 =	vmul.f32 v46, v43;
	v9 =	vmul.f32 v54, v58;
	[tilespmem:s21+$0x8000] =	vst.add.f32.msk $0xffff, v20;
	v2 =	vadd.f32 $8.388608000e+06, v2  }
0xd3: {  	v4 =	vmul.f32 v54, v4;
	v5 =	vmul.f32 v54, v5;
	[tilespmem:s21+$0x8060] =	vst.add.f32.msk $0xffff, v20;
	v1 =	vadd.f32 $8.388608000e+06, v1  }
0xd4: {  	v7 =	vmul.f32 v54, v57;
	[tilespmem:s21+$0x8040] =	vst.add.f32.msk $0xffff, v20;
	v9 =	vadd.f32 $8.388608000e+06, v9;
	v2 =	vadd.f32 $-8.388608000e+06, v2  }
0xd5: {  	v0 =	vmul.f32 v54, v0;
	[tilespmem:s21+$0x8030] =	vst.add.f32.msk $0xffff, v20;
	v4 =	vadd.f32 $8.388608000e+06, v4;
	v1 =	vadd.f32 $-8.388608000e+06, v1  }
0xd6: {  	[tilespmem:s21+$0x8010] =	vst v3;
	v5 =	vadd.f32 $8.388608000e+06, v5;
	v9 =	vadd.f32 $-8.388608000e+06, v9;
	v2 =	vmul.f32 v2, v56  }
0xd7: {  	v7 =	vadd.f32 $8.388608000e+06, v7;
	[tilespmem:s21+$0x8010] =	vst.add.f32.msk $0xffff, v20;
	v4 =	vadd.f32 $-8.388608000e+06, v4;
	v1 =	vmul.f32 v1, v56  }
0xd8: {  	v0 =	vadd.f32 $8.388608000e+06, v0;
	v5 =	vadd.f32 $-8.388608000e+06, v5;
	v9 =	vmul.f32 v9, v56;
	[tilespmem:s21+$0x80B0] =	vst v2  }
0xd9: {  	v62 =	vadd.f32 $-8.388608000e+06, v7;
	v61 =	vmul.f32 v4, v56;
	[tilespmem:s21+$0x80D0] =	vst v1  }
0xda: {  	v0 =	vadd.f32 $-8.388608000e+06, v0;
	v5 =	vmul.f32 v5, v56;
	[tilespmem:s21+$0x80C0] =	vst v9  }
0xdb: {  	v63 =	vmul.f32 v62, v56;
	[tilespmem:s21+$0x80F0] =	vst v61  }
0xdc: {  	v59 =	vsub.f32 v11, v52;
	v0 =	vmul.f32 v0, v56;
	[tilespmem:s21+$0x80E0] =	vst v5  }
0xdd: {  	[tilespmem:s21+$0x8080] =	vst v63  }
0xde: {  	v10 =	vmul.f32 v54, v59;
	[tilespmem:s21+$0x80A0] =	vst v0  }
0xdf: {  	[tilespmem:s21+$0x80B0] =	vst.add.f32.msk $0xffff, v52  }
0xe0: {  	v10 =	vadd.f32 $8.388608000e+06, v10;
	[tilespmem:s21+$0x80E0] =	vst.add.f32.msk $0xffff, v52  }
0xe1: {  	[tilespmem:s21+$0x80D0] =	vst.add.f32.msk $0xffff, v52  }
0xe2: {  	v60 =	vadd.f32 $-8.388608000e+06, v10;
	[tilespmem:s21+$0x80C0] =	vst.add.f32.msk $0xffff, v52  }
0xe3: {  	p1 =	sne.s32 s18, $0xF;
	[tilespmem:s21+$0x80F0] =	vst.add.f32.msk $0xffff, v52  }
.Ltmp3:
0xe4: {  	v2 =	vmul.f32 v60, v56;
	[tilespmem:s21+$0x8080] =	vst.add.f32.msk $0xffff, v52;
	(pc) =	sbr.rel @p1 .LBB2_6-.Ltmp3, $4  }
0xe5: {  	[tilespmem:s21+$0x80A0] =	vst.add.f32.msk $0xffff, v52  }
0xe6: {  	[tilespmem:s21+$0x8090] =	vst v2  }
0xe7: {  	s31 =	sadd.s32 s19, s5;
	[tilespmem:s21+$0x8090] =	vst.add.f32.msk $0xffff, v52  }
0xe8: {  	[hbm4b:s31+s2] =	stream.linear.scatter [tilespmem:s12], [sflag:$0x3], $0x4000, $0x38;
	[tilespmem:$0x10000] =	vst v63  }
.Ltmp4:
0xe9: {  	(pc) =	sbr.rel .LBB2_7-.Ltmp4, $4  }
0xea: {  	_ = 	snop  }
0xeb: {  	_ =	swait.ge [sflag:s13], $0x4000  }
0xec: {  	[sflag:s13] =	ssyncset.done $0x0  }
0xed: {  	[sflag:s13] =	ssyncadd.s32 $0xFFFFC000  }
.LBB2_6:
.Ltmp5:
0xee: {  	s20 =	sadd.s32 s19, s6;
	(pc) =	sbr.rel @p0 .LBB2_8-.Ltmp5, $4  }
0xef: {  	[tilespmem:s2], [sflag:$0x1] =	stream.linear.gather [hbm4b:s20+s2], $0x4000, $0x38;
	[tilespmem:$0x10000] =	vst v63  }
0xf0: {  	_ =	swait.ge [sflag:s13], $0x4000  }
0xf1: {  	[sflag:s13] =	ssyncset.done $0x0  }
0xf2: {  	[sflag:s13] =	ssyncadd.s32 $0xFFFFC000  }
.LBB2_7:
0xf3: {  	_ =	swait.ge [sflag:s14], $0x4000  }
0xf4: {  	[sflag:s14] =	ssyncset.done $0x0  }
0xf5: {  	[sflag:s14] =	ssyncadd.s32 $0xFFFFC000  }
.LBB2_8:
0xf6: {  	s22 =	simm.s32 $0x0  }
0xf7: {  	v0 =	vld [tilespmem:s22+$0x4070]  }
0xf8: {  	v2 =	vld [tilespmem:s22+$0x4030]  }
0xf9: {  	v8 =	vld [tilespmem:s22+$0x4010]  }
0xfa: {  	v9 =	vld [tilespmem:s22+$0x4000]  }
0xfb: {  	v10 =	vld [tilespmem:s22+$0x4020]  }
0xfc: {  	v14 =	vld [tilespmem:s22+$0x4060]  }
0xfd: {  	v13 =	vld [tilespmem:s22+$0x4050]  }
0xfe: {  	v15 =	vld [tilespmem:s22+$0x4040];
	_ =	sdelay $0x2  }
0xff: {  	v1 =	vmax.f32 v9, v8  }
0x100: {  	v3 =	vmin.f32 v10, v2;
	v4 =	vmax.f32 v10, v2;
	v5 =	vmin.f32 v14, v0  }
0x101: {  	v18 =	vld [tilespmem:s22+$0x40B0];
	v6 =	vmax.f32 v14, v0;
	v7 =	vmin.f32 v9, v8;
	v11 =	vmin.f32 v15, v13  }
0x102: {  	v12 =	vld [tilespmem:s22+$0x40F0];
	v3 =	vmin.f32 v7, v3;
	v7 =	vmax.f32 v15, v13;
	v11 =	vmin.f32 v11, v5  }
0x103: {  	v22 =	vld [tilespmem:s22+$0x40D0];
	v1 =	vmax.f32 v1, v4;
	v3 =	vmin.f32 v3, v11;
	v4 =	vmax.f32 v7, v6  }
0x104: {  	s20 =	simm.s32 $0x100;
	v27 =	vld [tilespmem:s22+$0x4080];
	(xrf0) =	vmin.scan.msk.f32 $0xffff, v3;
	v1 =	vmax.f32 v1, v4  }
0x105: {  	v29 =	vld [tilespmem:s20+$0x4030];
	(xrf0) =	vmax.scan.msk.f32 $0xffff, v1  }
0x106: {  	v5 =	vld [tilespmem:s22+$0x40A0]  }
0x107: {  	v11 =	vld [tilespmem:s22+$0x40E0]  }
0x108: {  	v7 =	vld [tilespmem:s22+$0x40C0]  }
0x109: {  	v4 =	vld [tilespmem:s22+$0x4090]  }
0x10a: {  	v25 =	vld [tilespmem:s20+$0x4020];
	v16, _, _ =	vpop (xrf0)  }
0x10b: {  	v28 =	vld [tilespmem:s20+$0x4060];
	v1, _, _ =	vpop (xrf0)  }
0x10c: {  	v31 =	vld [tilespmem:s20+$0x4050];
	v17 =	vmin.f32 v5, v18;
	v3 =	vmin.f32 v11, v12;
	v1 =	vsub.f32 v1, v16  }
0x10d: {  	v32 =	vld [tilespmem:s20+$0x4040];
	v6 =	vmax.f32 v11, v12;
	v20 =	vmin.f32 v7, v22;
	v21 =	vmax.f32 v7, v22  }
0x10e: {  	v23 =	vmin.f32 v27, v4;
	v6 =	vmax.f32 v21, v6;
	v21 =	vld [tilespmem:s20+$0x4070];
	v1 =	vmax.f32 v1, $1.000000000e-30  }
0x10f: {  	v3 =	vmin.f32 v20, v3;
	v17 =	vmin.f32 v23, v17;
	v23 =	vld [tilespmem:s20+$0x4000];
	v24 =	vbroadcast v1, $0xF  }
0x110: {  	v19 =	vmax.f32 v5, v18;
	v20 =	vmax.f32 v27, v4;
	v3 =	vmin.f32 v17, v3;
	v17 =	vld [tilespmem:s20+$0x4010]  }
0x111: {  	v19 =	vmax.f32 v20, v19;
	(erf) = vrcp.f32 v24  }
0x112: {  	v6 =	vmax.f32 v19, v6;
	v20 =	vbroadcast v16, $0xF;
	(xrf0) =	vmin.scan.msk.f32 $0xffff, v3;
	v3 =	vld [tilespmem:s20+$0x40E0]  }
0x113: {  	v39 =	vmin.f32 v25, v29;
	v42 =	vmin.f32 v32, v31;
	v58 =	vmax.f32 v25, v29;
	(xrf0) =	vmax.scan.msk.f32 $0xffff, v6;
	v6 =	vld [tilespmem:s20+$0x40F0]  }
0x114: {  	v45 =	vmax.f32 v32, v31;
	v19 =	vsub.f32 v9, v20;
	v34 =	vsub.f32 v13, v20;
	v13 =	vld [tilespmem:s20+$0x40D0]  }
0x115: {  	v33 =	vsub.f32 v8, v20;
	v8 =	vld [tilespmem:s20+$0x40C0];
	v40 =	vmin.f32 v28, v21;
	v41 =	vmin.f32 v23, v17  }
0x116: {  	v10 =	vsub.f32 v10, v20;
	v40 =	vmin.f32 v42, v40;
	v39 =	vmin.f32 v41, v39  }
0x117: {  	v15 =	vsub.f32 v15, v20;
	v2 =	vsub.f32 v2, v20;
	v39 =	vmin.f32 v39, v40  }
0x118: {  	v0 =	vsub.f32 v0, v20;
	v14 =	vsub.f32 v14, v20;
	v44 =	vmax.f32 v28, v21;
	(xrf0) =	vmin.scan.msk.f32 $0xffff, v39  }
0x119: {  	v60 =	vmax.f32 v45, v44;
	v43 =	vmax.f32 v23, v17;
	v50 =	vmul.f32 $1.428571490e-01, v24;
	v30, _, _ =	vpop (xrf0)  }
0x11a: {  	v37 =	vmin.f32 v3, v6;
	v38 =	vmax.f32 v3, v6;
	v59 =	vmin.f32 v8, v13;
	v26 =	vpop (erf)  }
0x11b: {  	v40 =	vmax.f32 v43, v58;
	v61 =	vmax.f32 v8, v13;
	v16, _, _ =	vpop (xrf0);
	v26 =	vmul.f32 $7.000000000e+00, v26  }
0x11c: {  	v40 =	vmax.f32 v40, v60;
	v37 =	vmin.f32 v59, v37;
	v16 =	vsub.f32 v16, v30  }
0x11d: {  	v38 =	vmax.f32 v61, v38;
	v36 =	vmul.f32 v26, v19;
	v33 =	vmul.f32 v26, v33  }
0x11e: {  	v9 =	vld [tilespmem:s20+$0x40B0];
	v35 =	vmax.f32 v16, $1.000000000e-30;
	v47, _, _ =	vpop (xrf0);
	v46 =	vmul.f32 v26, v10;
	v15 =	vmul.f32 v26, v15  }
0x11f: {  	v1 =	vld [tilespmem:s20+$0x40A0];
	v2 =	vmul.f32 v26, v2;
	v10 =	vbroadcast v47, $0xF;
	v36 =	vadd.f32 $8.388608000e+06, v36  }
0x120: {  	v0 =	vmul.f32 v26, v0;
	v33 =	vadd.f32 $8.388608000e+06, v33;
	v15 =	vadd.f32 $8.388608000e+06, v15  }
0x121: {  	(xrf0) =	vmax.scan.msk.f32 $0xffff, v40;
	v16 =	vld [tilespmem:s20+$0x4090];
	v34 =	vmul.f32 v26, v34;
	v40 =	vsub.f32 v17, v10;
	v48 =	vsub.f32 v25, v10  }
0x122: {  	v19 =	vld [tilespmem:s20+$0x4080];
	v14 =	vmul.f32 v26, v14;
	v26 =	vsub.f32 v32, v10;
	v2 =	vadd.f32 $8.388608000e+06, v2  }
0x123: {  	v35 =	vbroadcast v35, $0xF;
	v49 =	vadd.f32 $8.388608000e+06, v0;
	v24 =	vsub.f32 v31, v10  }
0x124: {  	v57 =	vmax.f32 v1, v9;
	v54 =	vsub.f32 v29, v10;
	v29 =	vsub.f32 v21, v10  }
0x125: {  	(erf) = vrcp.f32 v35;
	v36 =	vadd.f32 $-8.388608000e+06, v36;
	v0 =	vadd.f32 $-8.388608000e+06, v2  }
0x126: {  	v21 =	vbroadcast v30, $0xF;
	v2 =	vadd.f32 $8.388608000e+06, v14;
	v14 =	vadd.f32 $-8.388608000e+06, v15  }
0x127: {  	v15 =	vadd.f32 $8.388608000e+06, v34;
	v30 =	vadd.f32 $-8.388608000e+06, v33;
	v63 =	vmax.f32 v19, v16  }
0x128: {  	v27 =	vsub.f32 v27, v21;
	v58 =	vsub.f32 v7, v21;
	v39 =	vmax.f32 v63, v57  }
0x129: {  	v7 =	vadd.f32 $-8.388608000e+06, v49;
	v38 =	vmax.f32 v39, v38;
	v39 =	vsub.f32 v23, v10;
	v23, _, _ =	vpop (xrf0)  }
0x12a: {  	v56 =	vmin.f32 v1, v9;
	v59 =	vsub.f32 v4, v21;
	v23 =	vsub.f32 v23, v47  }
0x12b: {  	s21 =	simm.s32 $0x200;
	v35 =	vmul.f32 $1.428571490e-01, v35;
	v60 =	vsub.f32 v5, v21;
	v22 =	vsub.f32 v22, v21  }
0x12c: {  	v4 =	vld [tilespmem:s21+$0x40F0];
	v18 =	vsub.f32 v18, v21;
	v62 =	vmin.f32 v19, v16;
	v23 =	vmax.f32 v23, $1.000000000e-30  }
0x12d: {  	v5 =	vld [tilespmem:s21+$0x40E0];
	v41 =	vmin.f32 v62, v56;
	v51 =	vmul.f32 v36, v50;
	v23 =	vbroadcast v23, $0xF  }
0x12e: {  	v33 =	vld [tilespmem:s21+$0x4010];
	v52 =	vmul.f32 v0, v50;
	v53 =	vadd.f32 $-8.388608000e+06, v2;
	v55 =	vmul.f32 v14, v50;
	v57 =	vpop (erf)  }
0x12f: {  	v0 =	vld [tilespmem:s21+$0x40A0];
	v15 =	vadd.f32 $-8.388608000e+06, v15;
	v44 =	vmul.f32 $7.000000000e+00, v57;
	(erf) = vrcp.f32 v23  }
0x130: {  	v2 =	vld [tilespmem:s21+$0x40B0];
	v30 =	vmul.f32 v30, v50;
	v61 =	vmul.f32 v7, v50;
	v37 =	vmin.f32 v41, v37  }
0x131: {  	v14 =	vld [tilespmem:s21+$0x4070];
	(xrf0) =	vmin.scan.msk.f32 $0xffff, v37;
	v56 =	vmul.f32 v15, v50;
	[tilespmem:s22+$0xC000] =	vst v51;
	v27 =	vmul.f32 v44, v27  }
0x132: {  	v37 =	vadd.f32 $8.388608000e+06, v46;
	v15 =	vld [tilespmem:s21+$0x4030];
	[tilespmem:s22+$0xC010] =	vst v30;
	v32 =	vmul.f32 v44, v59;
	v34 =	vmul.f32 v44, v60  }
0x133: {  	v30 =	vsub.f32 v28, v10;
	v28 =	vld [tilespmem:s21+$0x4000];
	[tilespmem:s22+$0xC070] =	vst v61;
	v63 =	vmul.f32 v44, v58;
	v45 =	vmul.f32 v44, v22  }
0x134: {  	v47 =	vld [tilespmem:s21+$0x4020];
	[tilespmem:s22+$0xC040] =	vst v55;
	v57 =	vmul.f32 v44, v18;
	v43 =	vmin.f32 v5, v4;
	v31 =	vadd.f32 $-8.388608000e+06, v37  }
0x135: {  	v7 =	vld [tilespmem:s21+$0x40D0];
	[tilespmem:s22+$0xC030] =	vst v52;
	v37 =	vmul.f32 v53, v50;
	v58 =	vadd.f32 $8.388608000e+06, v27;
	v51 =	vmin.f32 v0, v2  }
0x136: {  	(xrf0) =	vmax.scan.msk.f32 $0xffff, v38;
	v22 =	vld [tilespmem:s21+$0x4060];
	v34 =	vadd.f32 $8.388608000e+06, v34;
	v41 =	vadd.f32 $8.388608000e+06, v63;
	v31 =	vmul.f32 v31, v50  }
0x137: {  	v18 =	vld [tilespmem:s21+$0x40C0];
	v52 =	vmax.f32 v0, v2;
	v32 =	vadd.f32 $8.388608000e+06, v32;
	v45 =	vadd.f32 $8.388608000e+06, v45;
	[tilespmem:s22+$0xC060] =	vst v37  }
0x138: {  	v37 =	vsub.f32 v11, v21;
	v50 =	vmax.f32 v28, v33;
	[tilespmem:s22+$0xC020] =	vst v31;
	v31 =	vsub.f32 v12, v21;
	v62 =	vpop (erf)  }
0x139: {  	[tilespmem:s22+$0xC070] =	vst.add.f32.msk $0xffff, v20;
	v53 =	vmin.f32 v47, v15;
	v42 =	vadd.f32 $-8.388608000e+06, v58;
	v46 =	vmul.f32 $7.000000000e+00, v62  }
0x13a: {  	[tilespmem:s22+$0xC010] =	vst.add.f32.msk $0xffff, v20;
	v58 =	vmin.f32 v28, v33;
	v41 =	vadd.f32 $-8.388608000e+06, v41;
	v31 =	vmul.f32 v44, v31  }
0x13b: {  	v55 =	vld [tilespmem:s21+$0x4040];
	[tilespmem:s22+$0xC050] =	vst v56;
	v32 =	vadd.f32 $-8.388608000e+06, v32;
	v56 =	vmin.f32 v22, v14;
	v12 =	vmul.f32 v46, v39  }
0x13c: {  	[tilespmem:s22+$0xC000] =	vst.add.f32.msk $0xffff, v20;
	v17, _, _ =	vpop (xrf0);
	v59 =	vmin.f32 v18, v7;
	v60 =	vmax.f32 v18, v7;
	v31 =	vadd.f32 $8.388608000e+06, v31  }
0x13d: {  	[tilespmem:s22+$0xC040] =	vst.add.f32.msk $0xffff, v20;
	v37 =	vmul.f32 v44, v37;
	v25, _, _ =	vpop (xrf0);
	v43 =	vmin.f32 v59, v43;
	v49 =	vadd.f32 $8.388608000e+06, v12  }
0x13e: {  	[tilespmem:s22+$0xC030] =	vst.add.f32.msk $0xffff, v20;
	v42 =	vmul.f32 v42, v35;
	v25 =	vsub.f32 v25, v17;
	v31 =	vadd.f32 $-8.388608000e+06, v31  }
0x13f: {  	v32 =	vmul.f32 v32, v35;
	v44 =	vmin.f32 v58, v53;
	v27 =	vadd.f32 $-8.388608000e+06, v49;
	v49 =	vld [tilespmem:s21+$0x4050]  }
0x140: {  	v11 =	vld [tilespmem:s21+$0x4090];
	v37 =	vadd.f32 $8.388608000e+06, v37;
	v25 =	vmax.f32 v25, $1.000000000e-30;
	v31 =	vmul.f32 v31, v35  }
0x141: {  	v62 =	vadd.f32 $-8.388608000e+06, v45;
	v40 =	vmul.f32 v46, v40;
	v38 =	vmul.f32 v46, v48;
	v12 =	vld [tilespmem:s21+$0x4080]  }
0x142: {  	[tilespmem:s22+$0xC050] =	vst.add.f32.msk $0xffff, v20;
	v48 =	vmax.f32 v5, v4;
	v36 =	vmul.f32 v46, v54;
	v39 =	vadd.f32 $8.388608000e+06, v57  }
0x143: {  	[tilespmem:s22+$0xC060] =	vst.add.f32.msk $0xffff, v20;
	v54 =	vmax.f32 v47, v15;
	v57 =	vmax.f32 v22, v14;
	v26 =	vmul.f32 v46, v26  }
0x144: {  	[tilespmem:s22+$0xC020] =	vst.add.f32.msk $0xffff, v20;
	v50 =	vmax.f32 v50, v54;
	v48 =	vmax.f32 v60, v48;
	v59 =	vmin.f32 v55, v49  }
0x145: {  	[tilespmem:s22+$0xC090] =	vst v32;
	v39 =	vadd.f32 $-8.388608000e+06, v39;
	v61 =	vmax.f32 v55, v49;
	v56 =	vmin.f32 v59, v56  }
0x146: {  	[tilespmem:s22+$0xC080] =	vst v42;
	v53 =	vmin.f32 v12, v11;
	v59 =	vmax.f32 v61, v57;
	v44 =	vmin.f32 v44, v56  }
0x147: {  	v58 =	vmax.f32 v12, v11;
	v61 =	vmin.f32 v53, v51;
	v63 =	vmax.f32 v50, v59;
	(xrf0) =	vmin.scan.msk.f32 $0xffff, v44  }
0x148: {  	v20 =	vmul.f32 v39, v35;
	v52 =	vmax.f32 v58, v52;
	v53 =	vmin.f32 v61, v43;
	(xrf0) =	vmax.scan.msk.f32 $0xffff, v63  }
0x149: {  	v60 =	vadd.f32 $8.388608000e+06, v38;
	v38 =	vbroadcast v25, $0xF;
	v54 =	vmax.f32 v52, v48;
	(xrf0) =	vmin.scan.msk.f32 $0xffff, v53  }
0x14a: {  	v32 =	vmul.f32 v46, v24;
	[tilespmem:s22+$0xC0B0] =	vst v20;
	v20 =	vadd.f32 $-8.388608000e+06, v37;
	(xrf0) =	vmax.scan.msk.f32 $0xffff, v54  }
0x14b: {  	[tilespmem:s22+$0xC090] =	vst.add.f32.msk $0xffff, v21;
	v36 =	vadd.f32 $8.388608000e+06, v36;
	v39 =	vadd.f32 $8.388608000e+06, v40;
	(erf) = vrcp.f32 v38  }
0x14c: {  	[tilespmem:s22+$0xC0F0] =	vst v31;
	v58 =	vmul.f32 v41, v35;
	v57 =	vmul.f32 v20, v35;
	v20 =	vadd.f32 $-8.388608000e+06, v34  }
0x14d: {  	v36 =	vadd.f32 $-8.388608000e+06, v36;
	[tilespmem:s22+$0xC0B0] =	vst.add.f32.msk $0xffff, v21;
	v41 =	vadd.f32 $8.388608000e+06, v26;
	v26 =	vmul.f32 v46, v29;
	v59, _, _ =	vpop (xrf0)  }
0x14e: {  	[tilespmem:s22+$0xC0C0] =	vst v58;
	v34 =	vadd.f32 $-8.388608000e+06, v60;
	v40 =	vmul.f32 v20, v35;
	v20 =	vbroadcast v59, $0xF;
	v24, _, _ =	vpop (xrf0)  }
0x14f: {  	v56 =	vmul.f32 v62, v35;
	[tilespmem:s22+$0xC0C0] =	vst.add.f32.msk $0xffff, v21;
	v35 =	vadd.f32 $8.388608000e+06, v26;
	v25 =	vsub.f32 v24, v59;
	v31, _, _ =	vpop (xrf0)  }
0x150: {  	v61 =	vmul.f32 v46, v30;
	[tilespmem:s22+$0xC0E0] =	vst v57;
	v29 =	vsub.f32 v28, v20;
	v28 =	vsub.f32 v33, v20;
	v62, _, _ =	vpop (xrf0)  }
0x151: {  	[tilespmem:s22+$0xC0D0] =	vst v56;
	v33 =	vmul.f32 $1.428571490e-01, v23;
	v23 =	vmax.f32 v25, $1.000000000e-30;
	v63 =	vsub.f32 v62, v31  }
0x152: {  	[tilespmem:s22+$0xC0E0] =	vst.add.f32.msk $0xffff, v21;
	v37 =	vadd.f32 $8.388608000e+06, v61;
	v30 =	vsub.f32 v47, v20;
	v23 =	vbroadcast v23, $0xF  }
0x153: {  	s23 =	simm.s32 $0x4;
	s24 =	simm.s32 $0xC00;
	[tilespmem:s22+$0xC0D0] =	vst.add.f32.msk $0xffff, v21;
	v24 =	vsub.f32 v55, v20;
	v25 =	vsub.f32 v49, v20;
	v26 =	vmax.f32 v63, $1.000000000e-30  }
.LBB2_9:
0x154: {  	s25 =	sshra.s32 s24, $0x2;
	s23 =	sadd.s32 $0x2, s23;
	(erf) = vrcp.f32 v23;
	v41 =	vadd.f32 $-8.388608000e+06, v41;
	v32 =	vadd.f32 $8.388608000e+06, v32;
	[tilespmem:s22+$0xC0F0] =	vst.add.f32.msk $0xffff, v21  }
0x155: {  	v27 =	vmul.f32 v27, v33;
	p0 =	slt.u32 s23, $0x7E;
	v42 =	vmul.f32 v36, v33;
	v36 =	vadd.f32 $-8.388608000e+06, v37;
	[tilespmem:s22+$0xC080] =	vst.add.f32.msk $0xffff, v21  }
0x156: {  	v43 =	vsub.f32 v15, v20;
	v37 =	vld [tilespmem:s25+$0x40A0];
	v41 =	vmul.f32 v41, v33;
	v15 =	vadd.f32 $-8.388608000e+06, v32  }
0x157: {  	v45 =	vbroadcast v17, $0xF;
	v17 =	vmovc v31;
	v32 =	vsub.f32 v14, v20;
	v44 =	vld [tilespmem:s25+$0x40B0];
	v36 =	vmul.f32 v36, v33;
	[tilespmem:s22+$0xC0A0] =	vst v40  }
0x158: {  	v31 =	vmul.f32 $1.428571490e-01, v38;
	v14 =	vld [tilespmem:s25+$0x4070];
	[tilespmem:s20+$0xC000] =	vst v27;
	v27 =	vadd.f32 $-8.388608000e+06, v39;
	v39 =	vmul.f32 v15, v33;
	v38 =	vpop (erf)  }
0x159: {  	v19 =	vsub.f32 v19, v45;
	v40 =	vsub.f32 v8, v45;
	v8 =	vmovc v18;
	v15 =	vld [tilespmem:s25+$0x4030];
	[tilespmem:s20+$0xC060] =	vst v36;
	v38 =	vmul.f32 $7.000000000e+00, v38  }
0x15a: {  	v16 =	vsub.f32 v16, v45;
	v18 =	vmul.f32 v27, v33;
	v27 =	vadd.f32 $-8.388608000e+06, v35;
	[tilespmem:s22+$0xC0A0] =	vst.add.f32.msk $0xffff, v21;
	v21 =	vmovc v45;
	s22 =	smov.u32 s20;
	s20 =	smov.u32 s21;
	s21 =	smov.u32 s25  }
0x15b: {  	v34 =	vmul.f32 v34, v33;
	v45 =	vld [tilespmem:s21+$0x40F0];
	[tilespmem:s22+$0xC050] =	vst v39;
	v19 =	vmul.f32 v38, v19;
	v36 =	vsub.f32 v1, v21  }
0x15c: {  	v46 =	vmul.f32 v38, v16;
	v16 =	vsub.f32 v9, v21;
	v39 =	vld [tilespmem:s21+$0x40E0];
	[tilespmem:s22+$0xC010] =	vst v18;
	v18 =	vmul.f32 v27, v33  }
0x15d: {  	v13 =	vsub.f32 v13, v21;
	v1 =	vmov v0;
	v33 =	vsub.f32 v22, v20;
	v27 =	vld [tilespmem:s21+$0x40D0];
	v9 =	vpop (erf);
	[tilespmem:s22+$0xC020] =	vst v34  }
0x15e: {  	v48 =	vsub.f32 v6, v21;
	v0 =	vmovc v37;
	v47 =	vmul.f32 v38, v36;
	v35 =	vld [tilespmem:s21+$0x4010];
	v34 =	vmul.f32 $7.000000000e+00, v9;
	[tilespmem:s22+$0xC070] =	vst v18  }
0x15f: {  	v40 =	vmul.f32 v38, v40;
	v9 =	vmovc v2;
	v2 =	vmov v44;
	v36 =	vld [tilespmem:s21+$0x4000];
	[tilespmem:s22+$0xC040] =	vst v41;
	v41 =	vmul.f32 v38, v13  }
0x160: {  	v51 =	vmul.f32 v38, v16;
	v37 =	vld [tilespmem:s21+$0x4020];
	v18 =	vmul.f32 v34, v29;
	[tilespmem:s22+$0xC030] =	vst v42;
	v29 =	vsub.f32 v3, v21  }
0x161: {  	v6 =	vmovc v4;
	v28 =	vmul.f32 v34, v28;
	v30 =	vmul.f32 v34, v30;
	v4 =	vmovc v45;
	v3 =	vmov v5;
	v42 =	vld [tilespmem:s21+$0x4090]  }
0x162: {  	v13 =	vmovc v7;
	v44 =	vmin.f32 v39, v4;
	v45 =	vmax.f32 v39, v4;
	v5 =	vmovc v39;
	v22 =	vld [tilespmem:s21+$0x4060];
	v49 =	vadd.f32 $8.388608000e+06, v18  }
0x163: {  	v50 =	vadd.f32 $8.388608000e+06, v51;
	v16 =	vmovc v11;
	v43 =	vmul.f32 v34, v43;
	v39 =	vadd.f32 $8.388608000e+06, v19;
	v7 =	vmovc v27;
	v18 =	vld [tilespmem:s21+$0x40C0]  }
0x164: {  	v52 =	vmin.f32 v0, v2;
	v53 =	vmax.f32 v0, v2;
	v51 =	vmax.f32 v36, v35;
	[tilespmem:s22+$0xC070] =	vst.add.f32.msk $0xffff, v10  }
0x165: {  	v19 =	vmovc v12;
	v27 =	vadd.f32 $-8.388608000e+06, v49;
	v54 =	vmin.f32 v37, v15;
	v55 =	vmax.f32 v37, v15;
	v12 =	vld [tilespmem:s21+$0x4080]  }
0x166: {  	v48 =	vmul.f32 v38, v48;
	v47 =	vadd.f32 $8.388608000e+06, v47;
	v39 =	vadd.f32 $-8.388608000e+06, v39;
	v49 =	vld [tilespmem:s21+$0x4050];
	v11 =	vmovc v42  }
0x167: {  	v40 =	vadd.f32 $8.388608000e+06, v40;
	v42 =	vld [tilespmem:s21+$0x4040];
	v56 =	vmin.f32 v22, v14;
	v57 =	vmax.f32 v22, v14  }
0x168: {  	v48 =	vadd.f32 $8.388608000e+06, v48;
	v50 =	vadd.f32 $-8.388608000e+06, v50;
	v58 =	vmin.f32 v36, v35;
	[tilespmem:s22+$0xC050] =	vst.add.f32.msk $0xffff, v10  }
0x169: {  	v29 =	vmul.f32 v38, v29;
	v59 =	vmin.f32 v18, v7;
	v60 =	vmax.f32 v18, v7;
	[tilespmem:s22+$0xC010] =	vst.add.f32.msk $0xffff, v10  }
0x16a: {  	v46 =	vadd.f32 $8.388608000e+06, v46;
	v38 =	vmin.f32 v58, v54;
	v54 =	vmin.f32 v12, v11;
	[tilespmem:s22+$0xC020] =	vst.add.f32.msk $0xffff, v10  }
0x16b: {  	v29 =	vadd.f32 $8.388608000e+06, v29;
	v44 =	vmin.f32 v59, v44;
	v58 =	vmax.f32 v12, v11;
	[tilespmem:s22+$0xC000] =	vst.add.f32.msk $0xffff, v10  }
0x16c: {  	v41 =	vadd.f32 $8.388608000e+06, v41;
	v59 =	vmin.f32 v42, v49;
	v61 =	vmax.f32 v42, v49;
	[tilespmem:s22+$0xC060] =	vst.add.f32.msk $0xffff, v10  }
0x16d: {  	v40 =	vadd.f32 $-8.388608000e+06, v40;
	v51 =	vmax.f32 v51, v55;
	v56 =	vmin.f32 v59, v56;
	[tilespmem:s22+$0xC040] =	vst.add.f32.msk $0xffff, v10  }
0x16e: {  	v50 =	vmul.f32 v50, v31;
	v55 =	vmax.f32 v61, v57;
	v38 =	vmin.f32 v38, v56;
	[tilespmem:s22+$0xC030] =	vst.add.f32.msk $0xffff, v10  }
0x16f: {  	v45 =	vmax.f32 v60, v45;
	v52 =	vmin.f32 v54, v52;
	v10 =	vmovc v20;
	(xrf0) =	vmin.scan.msk.f32 $0xffff, v38;
	v38 =	vadd.f32 $-8.388608000e+06, v41  }
0x170: {  	v29 =	vadd.f32 $-8.388608000e+06, v29;
	v20 =	vmax.f32 v51, v55;
	v41 =	vmax.f32 v58, v53;
	[tilespmem:s22+$0xC0B0] =	vst v50  }
0x171: {  	v44 =	vmin.f32 v52, v44;
	v41 =	vmax.f32 v41, v45;
	[tilespmem:s22+$0xC0B0] =	vst.add.f32.msk $0xffff, v21;
	v38 =	vmul.f32 v38, v31  }
0x172: {  	v45 =	vmul.f32 v39, v31;
	(xrf0) =	vmax.scan.msk.f32 $0xffff, v20;
	v20 =	vadd.f32 $-8.388608000e+06, v46;
	v46 =	vmul.f32 v29, v31  }
0x173: {  	v29 =	vadd.f32 $-8.388608000e+06, v47;
	v47 =	vadd.f32 $-8.388608000e+06, v48;
	(xrf0) =	vmin.scan.msk.f32 $0xffff, v44;
	v44 =	vmul.f32 v40, v31  }
0x174: {  	v24 =	vmul.f32 v34, v24;
	(xrf0) =	vmax.scan.msk.f32 $0xffff, v41;
	v48 =	vmul.f32 v20, v31;
	[tilespmem:s22+$0xC0D0] =	vst v38  }
0x175: {  	v39 =	vadd.f32 $8.388608000e+06, v28;
	v40 =	vmul.f32 v29, v31;
	v28 =	vmul.f32 v47, v31;
	v50, _, _ =	vpop (xrf0);
	[tilespmem:s22+$0xC0C0] =	vst v44  }
0x176: {  	v41 =	vadd.f32 $8.388608000e+06, v24;
	v44 =	vmul.f32 v34, v32;
	v20 =	vbroadcast v50, $0xF;
	[tilespmem:s22+$0xC090] =	vst v48  }
0x177: {  	v47 =	vadd.f32 $8.388608000e+06, v30;
	v38 =	vbroadcast v26, $0xF;
	v32 =	vmul.f32 v34, v25;
	[tilespmem:s22+$0xC0F0] =	vst v28  }
0x178: {  	v48 =	vmul.f32 v34, v33;
	v29 =	vsub.f32 v36, v20;
	v28 =	vsub.f32 v35, v20;
	v24, _, _ =	vpop (xrf0);
	[tilespmem:s22+$0xC0E0] =	vst v46  }
.Ltmp6:
0x179: {  	v30 =	vsub.f32 v37, v20;
	v25 =	vsub.f32 v24, v50;
	v31, _, _ =	vpop (xrf0);
	(erf) = vrcp.f32 v38;
	[tilespmem:s22+$0xC0E0] =	vst.add.f32.msk $0xffff, v21;
	(pc) =	sbr.rel @p0 .LBB2_9-.Ltmp6, $4  }
0x17a: {  	v33 =	vmul.f32 $1.428571490e-01, v23;
	v36 =	vadd.f32 $8.388608000e+06, v43;
	v24 =	vsub.f32 v42, v20;
	v26, _, _ =	vpop (xrf0);
	[tilespmem:s22+$0xC080] =	vst v45  }
0x17b: {  	v35 =	vadd.f32 $8.388608000e+06, v44;
	v23 =	vmax.f32 v25, $1.000000000e-30;
	v26 =	vsub.f32 v26, v31;
	[tilespmem:s22+$0xC0D0] =	vst.add.f32.msk $0xffff, v21  }
0x17c: {  	v34 =	vadd.f32 $-8.388608000e+06, v47;
	v25 =	vsub.f32 v49, v20;
	v23 =	vbroadcast v23, $0xF;
	[tilespmem:s22+$0xC0C0] =	vst.add.f32.msk $0xffff, v21  }
0x17d: {  	s24 =	sadd.s32 $0x400, s24;
	v37 =	vadd.f32 $8.388608000e+06, v48;
	v36 =	vadd.f32 $-8.388608000e+06, v36;
	v26 =	vmax.f32 v26, $1.000000000e-30;
	[tilespmem:s22+$0xC090] =	vst.add.f32.msk $0xffff, v21  }
0x17e: {  	[tilespmem:s22+$0xC0F0] =	vst.add.f32.msk $0xffff, v21  }
0x17f: {  	[tilespmem:s22+$0xC080] =	vst.add.f32.msk $0xffff, v21  }
0x180: {  	v27 =	vmul.f32 v27, v33;
	[tilespmem:s22+$0xC0A0] =	vst v40  }
0x181: {  	v34 =	vmul.f32 v34, v33;
	[tilespmem:s22+$0xC0A0] =	vst.add.f32.msk $0xffff, v21  }
0x182: {  	v59 =	vmul.f32 v36, v33;
	[tilespmem:s20+$0xC000] =	vst v27  }
0x183: {  	v56 =	vadd.f32 $-8.388608000e+06, v39;
	[tilespmem:s20+$0xC020] =	vst v34  }
0x184: {  	v32 =	vadd.f32 $8.388608000e+06, v32;
	v35 =	vadd.f32 $-8.388608000e+06, v35;
	[tilespmem:s20+$0xC030] =	vst v59  }
0x185: {  	v57 =	vadd.f32 $-8.388608000e+06, v41;
	v17 =	vbroadcast v17, $0xF;
	v27 =	vmul.f32 v56, v33;
	[tilespmem:s20+$0xC020] =	vst.add.f32.msk $0xffff, v10  }
0x186: {  	v62 =	vmul.f32 $1.428571490e-01, v38;
	v58 =	vmul.f32 v35, v33;
	[tilespmem:s20+$0xC000] =	vst.add.f32.msk $0xffff, v10  }
0x187: {  	v37 =	vadd.f32 $-8.388608000e+06, v37;
	v32 =	vadd.f32 $-8.388608000e+06, v32;
	v21 =	vmul.f32 v57, v33;
	[tilespmem:s20+$0xC010] =	vst v27;
	v60 =	vpop (erf)  }
0x188: {  	v9 =	vsub.f32 v9, v17;
	v13 =	vsub.f32 v13, v17;
	[tilespmem:s20+$0xC070] =	vst v58;
	v61 =	vmul.f32 $7.000000000e+00, v60  }
0x189: {  	v8 =	vsub.f32 v8, v17;
	v16 =	vsub.f32 v16, v17;
	v37 =	vmul.f32 v37, v33;
	[tilespmem:s20+$0xC040] =	vst v21  }
0x18a: {  	v6 =	vsub.f32 v6, v17;
	v3 =	vsub.f32 v3, v17;
	[tilespmem:s20+$0xC030] =	vst.add.f32.msk $0xffff, v10;
	v9 =	vmul.f32 v61, v9  }
0x18b: {  	v1 =	vsub.f32 v1, v17;
	v32 =	vmul.f32 v32, v33;
	[tilespmem:s20+$0xC060] =	vst v37;
	v13 =	vmul.f32 v61, v13  }
0x18c: {  	(erf) = vrcp.f32 v23;
	[tilespmem:s20+$0xC070] =	vst.add.f32.msk $0xffff, v10;
	v8 =	vmul.f32 v61, v8;
	v9 =	vadd.f32 $8.388608000e+06, v9  }
0x18d: {  	[tilespmem:s20+$0xC010] =	vst.add.f32.msk $0xffff, v10;
	v16 =	vmul.f32 v61, v16;
	v6 =	vmul.f32 v61, v6;
	v13 =	vadd.f32 $8.388608000e+06, v13  }
0x18e: {  	[tilespmem:s20+$0xC040] =	vst.add.f32.msk $0xffff, v10;
	v3 =	vmul.f32 v61, v3;
	v8 =	vadd.f32 $8.388608000e+06, v8;
	v9 =	vadd.f32 $-8.388608000e+06, v9  }
0x18f: {  	[tilespmem:s20+$0xC050] =	vst v32;
	v1 =	vmul.f32 v61, v1;
	v16 =	vadd.f32 $8.388608000e+06, v16;
	v13 =	vadd.f32 $-8.388608000e+06, v13  }
0x190: {  	[tilespmem:s20+$0xC060] =	vst.add.f32.msk $0xffff, v10;
	v6 =	vadd.f32 $8.388608000e+06, v6;
	v8 =	vadd.f32 $-8.388608000e+06, v8;
	v9 =	vmul.f32 v9, v62  }
0x191: {  	[tilespmem:s20+$0xC050] =	vst.add.f32.msk $0xffff, v10;
	v3 =	vadd.f32 $8.388608000e+06, v3;
	v16 =	vadd.f32 $-8.388608000e+06, v16;
	v63 =	vmul.f32 v13, v62  }
0x192: {  	v1 =	vadd.f32 $8.388608000e+06, v1;
	v6 =	vadd.f32 $-8.388608000e+06, v6;
	v8 =	vmul.f32 v8, v62;
	[tilespmem:s20+$0xC0B0] =	vst v9  }
0x193: {  	v3 =	vadd.f32 $-8.388608000e+06, v3;
	v10 =	vmul.f32 v16, v62;
	[tilespmem:s20+$0xC0D0] =	vst v63  }
0x194: {  	v19 =	vsub.f32 v19, v17;
	v1 =	vadd.f32 $-8.388608000e+06, v1;
	v6 =	vmul.f32 v6, v62;
	[tilespmem:s20+$0xC0C0] =	vst v8  }
0x195: {  	v3 =	vmul.f32 v3, v62;
	[tilespmem:s20+$0xC090] =	vst v10  }
0x196: {  	v19 =	vmul.f32 v61, v19;
	v1 =	vmul.f32 v1, v62;
	[tilespmem:s20+$0xC0F0] =	vst v6  }
0x197: {  	v33 =	vpop (erf);
	[tilespmem:s20+$0xC0E0] =	vst v3  }
0x198: {  	v32 =	vadd.f32 $8.388608000e+06, v19;
	v8 =	vmul.f32 $7.000000000e+00, v33;
	[tilespmem:s20+$0xC0A0] =	vst v1  }
0x199: {  	v14 =	vsub.f32 v14, v20;
	v42 =	vbroadcast v26, $0xF;
	v36 =	vsub.f32 v22, v20;
	[tilespmem:s20+$0xC0B0] =	vst.add.f32.msk $0xffff, v17  }
0x19a: {  	v43 =	vmul.f32 $1.428571490e-01, v23;
	v34 =	vadd.f32 $-8.388608000e+06, v32;
	[tilespmem:s20+$0xC0E0] =	vst.add.f32.msk $0xffff, v17;
	v37 =	vmul.f32 v8, v29  }
0x19b: {  	v35 =	vsub.f32 v15, v20;
	(erf) = vrcp.f32 v42;
	[tilespmem:s20+$0xC0D0] =	vst.add.f32.msk $0xffff, v17;
	v10 =	vmul.f32 v8, v36  }
0x19c: {  	v9 =	vmul.f32 v34, v62;
	[tilespmem:s20+$0xC0C0] =	vst.add.f32.msk $0xffff, v17;
	v41 =	vmul.f32 v8, v25;
	v3 =	vadd.f32 $8.388608000e+06, v37  }
0x19d: {  	[tilespmem:s20+$0xC090] =	vst.add.f32.msk $0xffff, v17;
	v39 =	vmul.f32 v8, v30;
	v40 =	vmul.f32 v8, v24;
	v10 =	vadd.f32 $8.388608000e+06, v10  }
0x19e: {  	[tilespmem:s20+$0xC0F0] =	vst.add.f32.msk $0xffff, v17;
	v14 =	vmul.f32 v8, v14;
	v16 =	vadd.f32 $8.388608000e+06, v41;
	v3 =	vadd.f32 $-8.388608000e+06, v3  }
0x19f: {  	[tilespmem:s20+$0xC0A0] =	vst.add.f32.msk $0xffff, v17;
	v44 =	vmul.f32 v8, v35;
	v15 =	vadd.f32 $8.388608000e+06, v39;
	v10 =	vadd.f32 $-8.388608000e+06, v10  }
0x1a0: {  	[tilespmem:s20+$0xC080] =	vst v9;
	v45 =	vadd.f32 $8.388608000e+06, v14;
	v16 =	vadd.f32 $-8.388608000e+06, v16;
	v3 =	vmul.f32 v3, v43  }
0x1a1: {  	[tilespmem:s20+$0xC080] =	vst.add.f32.msk $0xffff, v17;
	v47 =	vadd.f32 $8.388608000e+06, v40;
	v48 =	vadd.f32 $-8.388608000e+06, v15;
	v10 =	vmul.f32 v10, v43  }
0x1a2: {  	v1 =	vadd.f32 $8.388608000e+06, v44;
	v6 =	vadd.f32 $-8.388608000e+06, v45;
	v49 =	vmul.f32 v16, v43;
	[tilespmem:s21+$0xC000] =	vst v3  }
0x1a3: {  	v38 =	vmul.f32 v8, v28;
	v8 =	vadd.f32 $-8.388608000e+06, v47;
	v9 =	vmul.f32 v48, v43;
	[tilespmem:s21+$0xC060] =	vst v10  }
0x1a4: {  	v1 =	vadd.f32 $-8.388608000e+06, v1;
	v50 =	vmul.f32 v6, v43;
	[tilespmem:s21+$0xC050] =	vst v49  }
0x1a5: {  	v52 =	vbroadcast v31, $0xF;
	v51 =	vmul.f32 v8, v43;
	[tilespmem:s21+$0xC020] =	vst v9  }
0x1a6: {  	v1 =	vmul.f32 v1, v43;
	[tilespmem:s21+$0xC070] =	vst v50  }
0x1a7: {  	v2 =	vsub.f32 v2, v52;
	v53 =	vpop (erf);
	[tilespmem:s21+$0xC040] =	vst v51  }
0x1a8: {  	v55 =	vsub.f32 v7, v52;
	v13 =	vadd.f32 $8.388608000e+06, v38;
	v54 =	vmul.f32 $7.000000000e+00, v53;
	[tilespmem:s21+$0xC030] =	vst v1  }
0x1a9: {  	v56 =	vmul.f32 $1.428571490e-01, v42;
	v57 =	vsub.f32 v12, v52;
	v4 =	vsub.f32 v4, v52;
	[tilespmem:s21+$0xC070] =	vst.add.f32.msk $0xffff, v20  }
0x1aa: {  	v58 =	vsub.f32 v18, v52;
	v46 =	vadd.f32 $-8.388608000e+06, v13;
	v2 =	vmul.f32 v54, v2;
	[tilespmem:s21+$0xC050] =	vst.add.f32.msk $0xffff, v20  }
0x1ab: {  	v5 =	vsub.f32 v5, v52;
	v0 =	vsub.f32 v0, v52;
	v1 =	vmul.f32 v54, v55;
	[tilespmem:s21+$0xC020] =	vst.add.f32.msk $0xffff, v20  }
0x1ac: {  	v3 =	vmul.f32 v46, v43;
	v9 =	vmul.f32 v54, v58;
	[tilespmem:s21+$0xC000] =	vst.add.f32.msk $0xffff, v20;
	v2 =	vadd.f32 $8.388608000e+06, v2  }
0x1ad: {  	v4 =	vmul.f32 v54, v4;
	v5 =	vmul.f32 v54, v5;
	[tilespmem:s21+$0xC060] =	vst.add.f32.msk $0xffff, v20;
	v1 =	vadd.f32 $8.388608000e+06, v1  }
0x1ae: {  	v7 =	vmul.f32 v54, v57;
	[tilespmem:s21+$0xC040] =	vst.add.f32.msk $0xffff, v20;
	v9 =	vadd.f32 $8.388608000e+06, v9;
	v2 =	vadd.f32 $-8.388608000e+06, v2  }
0x1af: {  	v0 =	vmul.f32 v54, v0;
	[tilespmem:s21+$0xC030] =	vst.add.f32.msk $0xffff, v20;
	v4 =	vadd.f32 $8.388608000e+06, v4;
	v1 =	vadd.f32 $-8.388608000e+06, v1  }
0x1b0: {  	[tilespmem:s21+$0xC010] =	vst v3;
	v5 =	vadd.f32 $8.388608000e+06, v5;
	v9 =	vadd.f32 $-8.388608000e+06, v9;
	v2 =	vmul.f32 v2, v56  }
0x1b1: {  	v7 =	vadd.f32 $8.388608000e+06, v7;
	[tilespmem:s21+$0xC010] =	vst.add.f32.msk $0xffff, v20;
	v4 =	vadd.f32 $-8.388608000e+06, v4;
	v1 =	vmul.f32 v1, v56  }
0x1b2: {  	v0 =	vadd.f32 $8.388608000e+06, v0;
	v5 =	vadd.f32 $-8.388608000e+06, v5;
	v9 =	vmul.f32 v9, v56;
	[tilespmem:s21+$0xC0B0] =	vst v2  }
0x1b3: {  	v62 =	vadd.f32 $-8.388608000e+06, v7;
	v61 =	vmul.f32 v4, v56;
	[tilespmem:s21+$0xC0D0] =	vst v1  }
0x1b4: {  	v0 =	vadd.f32 $-8.388608000e+06, v0;
	v5 =	vmul.f32 v5, v56;
	[tilespmem:s21+$0xC0C0] =	vst v9  }
0x1b5: {  	v63 =	vmul.f32 v62, v56;
	[tilespmem:s21+$0xC0F0] =	vst v61  }
0x1b6: {  	v59 =	vsub.f32 v11, v52;
	v0 =	vmul.f32 v0, v56;
	[tilespmem:s21+$0xC0E0] =	vst v5  }
0x1b7: {  	[tilespmem:s21+$0xC080] =	vst v63  }
0x1b8: {  	v10 =	vmul.f32 v54, v59;
	[tilespmem:s21+$0xC0A0] =	vst v0  }
0x1b9: {  	[tilespmem:s21+$0xC0B0] =	vst.add.f32.msk $0xffff, v52  }
0x1ba: {  	v10 =	vadd.f32 $8.388608000e+06, v10;
	[tilespmem:s21+$0xC0E0] =	vst.add.f32.msk $0xffff, v52  }
0x1bb: {  	[tilespmem:s21+$0xC0D0] =	vst.add.f32.msk $0xffff, v52  }
0x1bc: {  	v60 =	vadd.f32 $-8.388608000e+06, v10;
	[tilespmem:s21+$0xC0C0] =	vst.add.f32.msk $0xffff, v52  }
0x1bd: {  	p0 =	seq.s32 s18, $0xF;
	[tilespmem:s21+$0xC0F0] =	vst.add.f32.msk $0xffff, v52  }
.Ltmp7:
0x1be: {  	v2 =	vmul.f32 v60, v56;
	[tilespmem:s21+$0xC080] =	vst.add.f32.msk $0xffff, v52;
	(pc) =	sbr.rel @p0 .LBB2_12-.Ltmp7, $4  }
0x1bf: {  	[tilespmem:s21+$0xC0A0] =	vst.add.f32.msk $0xffff, v52  }
0x1c0: {  	[tilespmem:s21+$0xC090] =	vst v2  }
0x1c1: {  	s31 =	sadd.s32 s9, s19;
	[tilespmem:s21+$0xC090] =	vst.add.f32.msk $0xffff, v52  }
0x1c2: {  	[hbm4b:s31+s2] =	stream.linear.scatter [tilespmem:s15], [sflag:$0x4], $0x4000, $0x38;
	[tilespmem:$0x10000] =	vst v63  }
.Ltmp8:
0x1c3: {  	(pc) =	sbr.rel .LBB2_2-.Ltmp8, $3  }
0x1c4: {  	_ =	sdelay $0x1  }
0x1c5: {  	s19 =	sadd.s32 s19, s7;
	s18 =	sadd.s32 $0x1, s18  }
0x1c6: {  	[tilespmem:s10], [sflag:$0x2] =	stream.linear.gather [hbm4b:s19+s2], $0x4000, $0x38;
	[tilespmem:$0x10000] =	vst v63  }
.LBB2_13:
0x1c7: {  	_ =	sfence.sel $0x180000  }
0x1c8: {  	[bflag:$0x0] =	sbarrier.arrive $0xFFFF  }
0x1c9: {  	p0 =	sne.s32 s1, $0x0;
	_ =	strace $0x90000047  }
0x1ca: {  	s0 =	sadd.s32 @!p0 $0x100000, s0;
	[bflag:$0x2] =	sbarrier.arrive $0xFFFF  }
0x1cb: {  	[sflag:s0] =	ssyncadd.tile.s32 @!p0 $0x1;
	_ =	shalt  }
.Lfunc_end2:
_tile_overlayer_lowered:
.L_overlay_start_2:
0x1cc: {  	(tag) =	ssettag $0x2  }
0x1cd: {  	s0 =	rddreg [dreg:$0x0];
	s2 =	stileid.u32  }
0x1ce: {  	s1 =	rddreg [dreg:$0x1];
	p0 =	sne.s32 s2, $0x0  }
0x1cf: {  	s3 =	rddreg [dreg:$0x2];
	[bflag:$0x3] =	sbarrier.arrive $0xFFFF;
	s2 =	simm.s32 @!p0 $0x1C05  }
0x1d0: {  	[timem:s3], [sflag:s2] =	dma.local @!p0 [hbm:s0], s1  }
0x1d1: {  	s0 =	simm.s32 @!p0 $0x5  }
0x1d2: {  	_ =	swait.ge @!p0 [sflag:s0], s1  }
0x1d3: {  	s1 =	ssub.s32 @!p0 $0x0, s1;
	[sflag:s0] =	ssyncset.done @!p0 $0x0  }
0x1d4: {  	[sflag:s0] =	ssyncadd.s32 @!p0 s1  }
0x1d5: {  	[bflag:$0x3] =	sbarrier.arrive $0xFFFF  }
0x1d6: {  	_ =	shalt  }

</sc_bundles>
